<compile_context>
chip_gen: v7x
topology: tpu7x:2x2x1
jax: 0.10.2.dev20260603
libtpu: 0.0.44.dev20260713+nightly
codegen_flags: <defaults>
</compile_context>

<pallas_src>
import functools

import jax
import jax.numpy as jnp
from jax import lax
from jax.experimental import pallas as pl
from jax.experimental.pallas import tpu as pltpu
from jax.experimental.pallas import tpu_sc as plsc

NUM_STEPS = 129
CLASS_NUM = 64
SUPPORT_NUM = 320
TARGET_NUM = 1024
INV_STEP = 64.0

NC, NS = 2, 16
NW = NC * NS
ROWS_W = TARGET_NUM // NW
VECS_ROW = SUPPORT_NUM // 16
HROWS = 272
HIST_W = HROWS * 16
SLAB = HIST_W // NS


def _sc_hist_body(ip_hbm, lab_hbm, out_hbm, sbuf, slab, tlab, ha, hb, hc, hd,
                  shared, tmp, acc, sem):
    cid = lax.axis_index("c")
    sid = lax.axis_index("s")
    wid = sid * NC + cid
    cp1 = pltpu.async_copy(ip_hbm.at[pl.ds(wid * ROWS_W, ROWS_W)], sbuf, sem)
    cp2 = pltpu.async_copy(lab_hbm.at[pl.ds(0, SUPPORT_NUM)], slab, sem)
    cp3 = pltpu.async_copy(lab_hbm.at[pl.ds(SUPPORT_NUM + wid * ROWS_W, ROWS_W)],
                           tlab.at[pl.ds(0, ROWS_W)], sem)

    zeros16 = jnp.zeros((16,), jnp.float32)

    def zero_body(z, c):
        for k in range(8):
            o = pl.ds(z * 128 + k * 16, 16)
            for h in (ha, hb, hc, hd):
                h[o] = zeros16
        return c

    lax.fori_loop(0, HIST_W // 128, zero_body, 0)
    cp1.wait()
    cp2.wait()
    cp3.wait()

    lane = lax.broadcasted_iota(jnp.int32, (16,), 0)
    UNROLL = 4
    bufs = [ha, hb, hc, hd]

    def row_body(i, c):
        tl = tlab[pl.ds(i, 16)][0]

        def q_body(q, c2):
            for k in range(UNROLL):
                v = q * UNROLL + k
                s = sbuf[i, pl.ds(v * 16, 16)]
                u = s * INV_STEP
                bi = u.astype(jnp.int32)
                bf = bi.astype(jnp.float32)
                frac = u - bf
                rem = (bf + 1.0) - u
                pos = slab[pl.ds(v * 16, 16)] == tl
                base = (jnp.where(pos, 64, HROWS // 2 + 64) + bi) * 16 + lane
                h = bufs[k % 4]
                plsc.addupdate_scatter(h, [base], frac)
                plsc.addupdate_scatter(h, [base + 16], rem)
            return c2

        lax.fori_loop(0, VECS_ROW // UNROLL, q_body, c)
        return c

    lax.fori_loop(0, ROWS_W, row_body, 0)

    def merge_body(z, c):
        for k in range(8):
            o = pl.ds(z * 128 + k * 16, 16)
            ha[o] = (ha[o] + hb[o]) + (hc[o] + hd[o])
        return c

    lax.fori_loop(0, HIST_W // 128, merge_body, 0)
    cps = [pltpu.async_copy(ha.at[pl.ds(dst * SLAB, SLAB)],
                            shared.at[pl.ds((dst * NS + sid) * SLAB, SLAB)],
                            sem)
           for dst in range(NS)]
    for cp in cps:
        cp.wait()
    plsc.subcore_barrier()

    pltpu.sync_copy(shared.at[pl.ds(sid * NS * SLAB, NS * SLAB)], tmp)
    for z in range(SLAB // 16):
        acc[pl.ds(z * 16, 16)] = zeros16

    def red_body(src, c):
        for z in range(SLAB // 16):
            o = pl.ds(z * 16, 16)
            acc[o] = acc[o] + tmp[pl.ds(src * SLAB + z * 16, 16)]
        return c

    lax.fori_loop(0, NS, red_body, 0)
    pltpu.sync_copy(acc, out_hbm.at[pl.ds(cid * HIST_W + sid * SLAB, SLAB)])


@functools.cache
def _sc_hist():
    return pl.kernel(
        _sc_hist_body,
        out_type=jax.ShapeDtypeStruct((NC * HIST_W,), jnp.float32),
        mesh=plsc.VectorSubcoreMesh(
            core_axis_name="c", subcore_axis_name="s",
            num_cores=NC, num_subcores=NS),
        scratch_types=[
            pltpu.VMEM((ROWS_W, SUPPORT_NUM), jnp.float32),
            pltpu.VMEM((SUPPORT_NUM,), jnp.int32),
            pltpu.VMEM((ROWS_W + 16,), jnp.int32),
            pltpu.VMEM((HIST_W,), jnp.float32),
            pltpu.VMEM((HIST_W,), jnp.float32),
            pltpu.VMEM((HIST_W,), jnp.float32),
            pltpu.VMEM((HIST_W,), jnp.float32),
            pltpu.VMEM_SHARED((NS * HIST_W,), jnp.float32),
            pltpu.VMEM((NS * SLAB,), jnp.float32),
            pltpu.VMEM((SLAB,), jnp.float32),
            pltpu.SemaphoreType.DMA,
        ],
        compiler_params=pltpu.CompilerParams(needs_layout_passes=False),
    )


def _tc_direct_body(logits_ref, tl_ref, sl_ref, dloss_ref, pn_ref):
    x = logits_ref[...]
    m = jnp.max(x, axis=1, keepdims=True)
    e = jnp.exp(x - m)
    lse = jnp.log(jnp.sum(e, axis=1, keepdims=True)) + m
    cls = lax.broadcasted_iota(jnp.int32, (TARGET_NUM, CLASS_NUM), 1)
    sel = cls == tl_ref[...]
    picked = jnp.sum(jnp.where(sel, x - lse, 0.0))
    dloss_ref[...] = jnp.full((1, 1), -picked / TARGET_NUM, jnp.float32)

    tcnt = jnp.sum(sel.astype(jnp.float32), axis=0, keepdims=True)
    scls = lax.broadcasted_iota(jnp.int32, (CLASS_NUM, SUPPORT_NUM), 0)
    scnt = jnp.sum((scls == sl_ref[...]).astype(jnp.float32), axis=1,
                   keepdims=True)
    pn_ref[...] = jnp.dot(tcnt, scnt, preferred_element_type=jnp.float32,
                 precision=lax.Precision.HIGHEST)


_tc_direct = pl.pallas_call(
    _tc_direct_body,
    out_shape=(
        jax.ShapeDtypeStruct((1, 1), jnp.float32),
        jax.ShapeDtypeStruct((1, 1), jnp.float32),
    ),
)


def _tc_histo_body(pn_ref, part_ref, hloss_ref):
    pos_num = pn_ref[...][0, 0]
    neg_num = float(TARGET_NUM * SUPPORT_NUM) - pos_num

    x = part_ref[...].reshape(2 * HROWS // 8, 128)
    y2 = x[:HROWS // 8] + x[HROWS // 8:]
    pc = lax.broadcasted_iota(jnp.int32, (128, 8), 0)
    pk = lax.broadcasted_iota(jnp.int32, (128, 8), 1)
    proj = ((pc // 16) == pk).astype(jnp.float32)
    y = jnp.dot(y2, proj, preferred_element_type=jnp.float32,
                 precision=lax.Precision.HIGHEST)
    rr = lax.broadcasted_iota(jnp.int32, (34, 1), 0)
    y = y * jnp.where(rr < 17, 1.0 / pos_num, 1.0 / neg_num)
    r1 = lax.broadcasted_iota(jnp.int32, (34, 34), 0)
    r2 = lax.broadcasted_iota(jnp.int32, (34, 34), 1)
    lmat = (r1 < r2 - 17).astype(jnp.float32)
    dmat = (r1 == r2 - 17).astype(jnp.float32)
    k1 = lax.broadcasted_iota(jnp.int32, (8, 8), 0)
    k2 = lax.broadcasted_iota(jnp.int32, (8, 8), 1)
    tri = (k1 <= k2).astype(jnp.float32)
    u = jnp.sum(y, axis=1, keepdims=True)
    outer = lax.dot_general(u, u, (((1,), (1,)), ((), ())),
                            preferred_element_type=jnp.float32,
                 precision=lax.Precision.HIGHEST)
    a = jnp.dot(y, tri, preferred_element_type=jnp.float32,
                 precision=lax.Precision.HIGHEST)
    b = lax.dot_general(a, y, (((1,), (1,)), ((), ())),
                        preferred_element_type=jnp.float32,
                 precision=lax.Precision.HIGHEST)
    hloss = jnp.sum(lmat * outer) + jnp.sum(dmat * b)
    hloss_ref[...] = jnp.full((1, 1), hloss, jnp.float32)


_tc_histo = pl.pallas_call(
    _tc_histo_body,
    out_shape=jax.ShapeDtypeStruct((1, 1), jnp.float32),
)


def kernel(direct_cls_logits, inner_product, cls_labels):
    labels = cls_labels.astype(jnp.int32)
    part = _sc_hist()(inner_product, labels)
    tl = labels[SUPPORT_NUM:].reshape(TARGET_NUM, 1)
    sl = labels[:SUPPORT_NUM].reshape(1, SUPPORT_NUM)
    dloss, pn = _tc_direct(direct_cls_logits, tl, sl)
    hloss = _tc_histo(pn, part)
    return hloss[0, 0], dloss[0, 0]

# --- scband reference (transcript-rebuilt; emitter-appended) ---
"""Pipeline reference for scband-histo-net-loss-52501680226348 (READ-ONLY COPY).

The authoritative reference and input builder live on the scoring server;
editing this copy changes nothing except your own understanding.
"""

import jax, jax.numpy as jnp
import numpy as np

NUM_STEPS = 129
DIRECT_PRED_WEIGHT = 1.0
CLASS_NUM_PER_BATCH = 64
BATCH_SUPPORT_NUM_PER_CLASS = 5
SUPPORT_NUM = CLASS_NUM_PER_BATCH * BATCH_SUPPORT_NUM_PER_CLASS
STEP = 2.0 / (NUM_STEPS - 1)
TARGET_NUM = 1024


def setup_inputs(seed: int = 0):
    key = jax.random.key(seed)
    k1, k2, k3 = jax.random.split(key, 3)
    direct_cls_logits = jax.random.normal(k1, (TARGET_NUM, CLASS_NUM_PER_BATCH), dtype=jnp.float32)
    inner_product = jax.random.uniform(k2, (TARGET_NUM, SUPPORT_NUM), dtype=jnp.float32)
    cls_labels = jax.random.randint(k3, (TARGET_NUM + SUPPORT_NUM,), 0, CLASS_NUM_PER_BATCH)
    return {"direct_cls_logits": direct_cls_logits, "inner_product": inner_product, "cls_labels": cls_labels}


def _histogram(t, s_repeat, s_repeat_floor, inds, size):
    indsa = jnp.equal(s_repeat_floor, t) & inds
    zeros = jnp.zeros((1, indsa.shape[1]), dtype=bool)
    indsb = jnp.concatenate([zeros, indsa], axis=0)[:t.shape[0], :]
    sr = jnp.where(indsb | indsa, s_repeat, 0.0)
    sr = jnp.where(indsa, (s_repeat - t) / STEP, sr)
    sr = jnp.where(indsb, (-s_repeat + t) / STEP, sr)
    return sr.sum(axis=1) / size


def reference(direct_cls_logits, inner_product, cls_labels):
    t = jnp.arange(-1.0, 1.0 + STEP, STEP, dtype=jnp.float32).reshape(-1, 1)
    tsize = t.shape[0]
    support_labels = cls_labels[:SUPPORT_NUM]
    target_labels = cls_labels[SUPPORT_NUM:]
    logp = jax.nn.log_softmax(direct_cls_logits, axis=-1)
    direct_loss = -jnp.mean(jnp.take_along_axis(logp, target_labels[:, None], axis=1)) * DIRECT_PRED_WEIGHT
    mask_pos = jnp.equal(support_labels[None, :], target_labels[:, None])
    mask_neg = ~mask_pos
    pos_num = mask_pos.sum().astype(jnp.float32)
    neg_num = mask_neg.sum().astype(jnp.float32)
    pos_inds = jnp.tile(mask_pos.reshape(1, -1), (tsize, 1))
    neg_inds = jnp.tile(mask_neg.reshape(1, -1), (tsize, 1))
    s = inner_product.reshape(1, -1)
    s_repeat = jnp.tile(s, (tsize, 1))
    s_repeat_floor = (jnp.floor(s_repeat / STEP) * STEP).astype(jnp.float32)
    histogram_pos = _histogram(t, s_repeat, s_repeat_floor, pos_inds, pos_num)
    histogram_neg = _histogram(t, s_repeat, s_repeat_floor, neg_inds, neg_num)
    hp_rep = jnp.tile(histogram_pos.reshape(-1, 1), (1, tsize))
    tril_mask = jnp.tril(jnp.ones((tsize, tsize), dtype=bool), -1)
    hp_rep = jnp.where(tril_mask, 0.0, hp_rep)
    histogram_pos_cdf = hp_rep.sum(axis=0)
    histo_loss = jnp.sum(histogram_neg * histogram_pos_cdf)
    return histo_loss, direct_loss

if __name__ == "__main__":
    import jax
    _d = setup_inputs()
    print(jax.jit(kernel)(*tuple(_d.values())))

</pallas_src>

<mosaic_0001>
#map = affine_map<(d0, d1) -> (0, 0)>
#map1 = affine_map<(d0, d1) -> (0)>
module attributes {stable_mosaic.version = 14 : i64} {
  func.func @_sc_hist_body(%arg0: i32, %arg1: i32, %arg2: memref<1024x320xf32, #tpu.memory_space<hbm>>, %arg3: memref<1344xi32, #tpu.memory_space<hbm>>, %arg4: memref<8704xf32, #tpu.memory_space<hbm>>, %arg5: memref<32x320xf32, #tpu.memory_space<vmem>>, %arg6: memref<320xi32, #tpu.memory_space<vmem>>, %arg7: memref<48xi32, #tpu.memory_space<vmem>>, %arg8: memref<4352xf32, #tpu.memory_space<vmem>>, %arg9: memref<4352xf32, #tpu.memory_space<vmem>>, %arg10: memref<4352xf32, #tpu.memory_space<vmem>>, %arg11: memref<4352xf32, #tpu.memory_space<vmem>>, %arg12: memref<69632xf32, #tpu.memory_space<vmem_shared>>, %arg13: memref<4352xf32, #tpu.memory_space<vmem>>, %arg14: memref<272xf32, #tpu.memory_space<vmem>>, %arg15: memref<!tpu.dma_semaphore, #tpu.memory_space<semaphore_mem>>) attributes {dimension_semantics = [#tpu.dimension_semantics<core_parallel>, #tpu.dimension_semantics<subcore_parallel>], iteration_bounds = array<i64: 2, 16>, scalar_prefetch = 0 : i64, scratch_operands = 11 : i64, tpu.core_type = #tpu.core_type<sc_vector_subcore>, window_params = [{transform_indices = #map}, {transform_indices = #map1}, {transform_indices = #map1}]} {
    %mul3A = arith.constant 2 : i32
    %mul3A_0 = arith.muli %arg1, %mul3A : i32
    %add3A = arith.addi %mul3A_0, %arg0 : i32
    %mul3A_1 = arith.constant 32 : i32
    %mul3A_2 = arith.muli %add3A, %mul3A_1 : i32
    %dma_start3A = arith.constant 0 : i32
    %dma_start3A_3 = tpu.memref_slice %arg2[%mul3A_2, %dma_start3A] : memref<1024x320xf32, #tpu.memory_space<hbm>> -> memref<32x320xf32, #tpu.memory_space<hbm>>
    %dma_start3A_4 = arith.constant 0 : i32
    %dma_start3A_5 = tpu.memref_slice %arg2[%mul3A_2, %dma_start3A_4] : memref<1024x320xf32, #tpu.memory_space<hbm>> -> memref<32x320xf32, #tpu.memory_space<hbm>>
    tpu.enqueue_dma source(%dma_start3A_5 : memref<32x320xf32, #tpu.memory_space<hbm>>) target(%arg5 : memref<32x320xf32, #tpu.memory_space<vmem>>) target_semaphore(%arg15 : memref<!tpu.dma_semaphore, #tpu.memory_space<semaphore_mem>>)
    %dma_start3A_6 = arith.constant 0 : i32
    %dma_start3A_7 = tpu.memref_slice %arg3[%dma_start3A_6] : memref<1344xi32, #tpu.memory_space<hbm>> -> memref<320xi32, #tpu.memory_space<hbm>>
    %dma_start3A_8 = arith.constant 0 : i32
    %dma_start3A_9 = tpu.memref_slice %arg3[%dma_start3A_8] : memref<1344xi32, #tpu.memory_space<hbm>> -> memref<320xi32, #tpu.memory_space<hbm>>
    tpu.enqueue_dma source(%dma_start3A_9 : memref<320xi32, #tpu.memory_space<hbm>>) target(%arg6 : memref<320xi32, #tpu.memory_space<vmem>>) target_semaphore(%arg15 : memref<!tpu.dma_semaphore, #tpu.memory_space<semaphore_mem>>)
    %mul3A_10 = arith.constant 32 : i32
    %mul3A_11 = arith.muli %add3A, %mul3A_10 : i32
    %add3A_12 = arith.constant 320 : i32
    %add3A_13 = arith.addi %add3A_12, %mul3A_11 : i32
    %dma_start3A_14 = arith.constant 0 : i32
    %dma_start3A_15 = tpu.memref_slice %arg7[%dma_start3A_14] : memref<48xi32, #tpu.memory_space<vmem>> -> memref<32xi32, #tpu.memory_space<vmem>>
    %dma_start3A_16 = tpu.memref_slice %arg3[%add3A_13] : memref<1344xi32, #tpu.memory_space<hbm>> -> memref<32xi32, #tpu.memory_space<hbm>>
    %dma_start3A_17 = arith.constant 0 : i32
    %dma_start3A_18 = tpu.memref_slice %arg7[%dma_start3A_17] : memref<48xi32, #tpu.memory_space<vmem>> -> memref<32xi32, #tpu.memory_space<vmem>>
    %dma_start3A_19 = tpu.memref_slice %arg3[%add3A_13] : memref<1344xi32, #tpu.memory_space<hbm>> -> memref<32xi32, #tpu.memory_space<hbm>>
    tpu.enqueue_dma source(%dma_start3A_19 : memref<32xi32, #tpu.memory_space<hbm>>) target(%dma_start3A_18 : memref<32xi32, #tpu.memory_space<vmem>>) target_semaphore(%arg15 : memref<!tpu.dma_semaphore, #tpu.memory_space<semaphore_mem>>)
    %broadcast_in_dim3A = arith.constant 0.000000e+00 : f32
    %broadcast_in_dim3A_20 = vector.broadcast %broadcast_in_dim3A : f32 to vector<16xf32>
    %scan3A = arith.constant 0 : i32
    %scan3A_21 = arith.constant 0 : i32
    %scan3A_22 = arith.constant 34 : i32
    %scan3A_23 = arith.addi %scan3A_21, %scan3A_22 : i32
    %scan3A_24 = arith.constant 1 : i32
    scf.for %scan3A_355 = %scan3A_21 to %scan3A_23 step %scan3A_24  : i32 {
      %mul3A_356 = arith.constant 128 : i32
      %mul3A_357 = arith.muli %scan3A_355, %mul3A_356 : i32
      %add3A_358 = arith.constant 0 : i32
      %add3A_359 = arith.addi %mul3A_357, %add3A_358 : i32
      %swap3A_360 = arith.index_cast %add3A_359 : i32 to index
      %swap3A_361 = tpu.vector_load %arg8[%swap3A_360] {strides = array<i32>} : memref<4352xf32, #tpu.memory_space<vmem>>, vector<16xf32>,
      tpu.vector_store %arg8[%swap3A_360], %broadcast_in_dim3A_20 {strides = array<i32>} : memref<4352xf32, #tpu.memory_space<vmem>>, vector<16xf32>,
      %swap3A_362 = arith.index_cast %add3A_359 : i32 to index
      %swap3A_363 = tpu.vector_load %arg9[%swap3A_362] {strides = array<i32>} : memref<4352xf32, #tpu.memory_space<vmem>>, vector<16xf32>,
      tpu.vector_store %arg9[%swap3A_362], %broadcast_in_dim3A_20 {strides = array<i32>} : memref<4352xf32, #tpu.memory_space<vmem>>, vector<16xf32>,
      %swap3A_364 = arith.index_cast %add3A_359 : i32 to index
      %swap3A_365 = tpu.vector_load %arg10[%swap3A_364] {strides = array<i32>} : memref<4352xf32, #tpu.memory_space<vmem>>, vector<16xf32>,
      tpu.vector_store %arg10[%swap3A_364], %broadcast_in_dim3A_20 {strides = array<i32>} : memref<4352xf32, #tpu.memory_space<vmem>>, vector<16xf32>,
      %swap3A_366 = arith.index_cast %add3A_359 : i32 to index
      %swap3A_367 = tpu.vector_load %arg11[%swap3A_366] {strides = array<i32>} : memref<4352xf32, #tpu.memory_space<vmem>>, vector<16xf32>,
      tpu.vector_store %arg11[%swap3A_366], %broadcast_in_dim3A_20 {strides = array<i32>} : memref<4352xf32, #tpu.memory_space<vmem>>, vector<16xf32>,
      %mul3A_368 = arith.constant 128 : i32
      %mul3A_369 = arith.muli %scan3A_355, %mul3A_368 : i32
      %add3A_370 = arith.constant 16 : i32
      %add3A_371 = arith.addi %mul3A_369, %add3A_370 : i32
      %swap3A_372 = arith.index_cast %add3A_371 : i32 to index
      %swap3A_373 = tpu.vector_load %arg8[%swap3A_372] {strides = array<i32>} : memref<4352xf32, #tpu.memory_space<vmem>>, vector<16xf32>,
      tpu.vector_store %arg8[%swap3A_372], %broadcast_in_dim3A_20 {strides = array<i32>} : memref<4352xf32, #tpu.memory_space<vmem>>, vector<16xf32>,
      %swap3A_374 = arith.index_cast %add3A_371 : i32 to index
      %swap3A_375 = tpu.vector_load %arg9[%swap3A_374] {strides = array<i32>} : memref<4352xf32, #tpu.memory_space<vmem>>, vector<16xf32>,
      tpu.vector_store %arg9[%swap3A_374], %broadcast_in_dim3A_20 {strides = array<i32>} : memref<4352xf32, #tpu.memory_space<vmem>>, vector<16xf32>,
      %swap3A_376 = arith.index_cast %add3A_371 : i32 to index
      %swap3A_377 = tpu.vector_load %arg10[%swap3A_376] {strides = array<i32>} : memref<4352xf32, #tpu.memory_space<vmem>>, vector<16xf32>,
      tpu.vector_store %arg10[%swap3A_376], %broadcast_in_dim3A_20 {strides = array<i32>} : memref<4352xf32, #tpu.memory_space<vmem>>, vector<16xf32>,
      %swap3A_378 = arith.index_cast %add3A_371 : i32 to index
      %swap3A_379 = tpu.vector_load %arg11[%swap3A_378] {strides = array<i32>} : memref<4352xf32, #tpu.memory_space<vmem>>, vector<16xf32>,
      tpu.vector_store %arg11[%swap3A_378], %broadcast_in_dim3A_20 {strides = array<i32>} : memref<4352xf32, #tpu.memory_space<vmem>>, vector<16xf32>,
      %mul3A_380 = arith.constant 128 : i32
      %mul3A_381 = arith.muli %scan3A_355, %mul3A_380 : i32
      %add3A_382 = arith.constant 32 : i32
      %add3A_383 = arith.addi %mul3A_381, %add3A_382 : i32
      %swap3A_384 = arith.index_cast %add3A_383 : i32 to index
      %swap3A_385 = tpu.vector_load %arg8[%swap3A_384] {strides = array<i32>} : memref<4352xf32, #tpu.memory_space<vmem>>, vector<16xf32>,
      tpu.vector_store %arg8[%swap3A_384], %broadcast_in_dim3A_20 {strides = array<i32>} : memref<4352xf32, #tpu.memory_space<vmem>>, vector<16xf32>,
      %swap3A_386 = arith.index_cast %add3A_383 : i32 to index
      %swap3A_387 = tpu.vector_load %arg9[%swap3A_386] {strides = array<i32>} : memref<4352xf32, #tpu.memory_space<vmem>>, vector<16xf32>,
      tpu.vector_store %arg9[%swap3A_386], %broadcast_in_dim3A_20 {strides = array<i32>} : memref<4352xf32, #tpu.memory_space<vmem>>, vector<16xf32>,
      %swap3A_388 = arith.index_cast %add3A_383 : i32 to index
      %swap3A_389 = tpu.vector_load %arg10[%swap3A_388] {strides = array<i32>} : memref<4352xf32, #tpu.memory_space<vmem>>, vector<16xf32>,
      tpu.vector_store %arg10[%swap3A_388], %broadcast_in_dim3A_20 {strides = array<i32>} : memref<4352xf32, #tpu.memory_space<vmem>>, vector<16xf32>,
      %swap3A_390 = arith.index_cast %add3A_383 : i32 to index
      %swap3A_391 = tpu.vector_load %arg11[%swap3A_390] {strides = array<i32>} : memref<4352xf32, #tpu.memory_space<vmem>>, vector<16xf32>,
      tpu.vector_store %arg11[%swap3A_390], %broadcast_in_dim3A_20 {strides = array<i32>} : memref<4352xf32, #tpu.memory_space<vmem>>, vector<16xf32>,
      %mul3A_392 = arith.constant 128 : i32
      %mul3A_393 = arith.muli %scan3A_355, %mul3A_392 : i32
      %add3A_394 = arith.constant 48 : i32
      %add3A_395 = arith.addi %mul3A_393, %add3A_394 : i32
      %swap3A_396 = arith.index_cast %add3A_395 : i32 to index
      %swap3A_397 = tpu.vector_load %arg8[%swap3A_396] {strides = array<i32>} : memref<4352xf32, #tpu.memory_space<vmem>>, vector<16xf32>,
      tpu.vector_store %arg8[%swap3A_396], %broadcast_in_dim3A_20 {strides = array<i32>} : memref<4352xf32, #tpu.memory_space<vmem>>, vector<16xf32>,
      %swap3A_398 = arith.index_cast %add3A_395 : i32 to index
      %swap3A_399 = tpu.vector_load %arg9[%swap3A_398] {strides = array<i32>} : memref<4352xf32, #tpu.memory_space<vmem>>, vector<16xf32>,
      tpu.vector_store %arg9[%swap3A_398], %broadcast_in_dim3A_20 {strides = array<i32>} : memref<4352xf32, #tpu.memory_space<vmem>>, vector<16xf32>,
      %swap3A_400 = arith.index_cast %add3A_395 : i32 to index
      %swap3A_401 = tpu.vector_load %arg10[%swap3A_400] {strides = array<i32>} : memref<4352xf32, #tpu.memory_space<vmem>>, vector<16xf32>,
      tpu.vector_store %arg10[%swap3A_400], %broadcast_in_dim3A_20 {strides = array<i32>} : memref<4352xf32, #tpu.memory_space<vmem>>, vector<16xf32>,
      %swap3A_402 = arith.index_cast %add3A_395 : i32 to index
      %swap3A_403 = tpu.vector_load %arg11[%swap3A_402] {strides = array<i32>} : memref<4352xf32, #tpu.memory_space<vmem>>, vector<16xf32>,
      tpu.vector_store %arg11[%swap3A_402], %broadcast_in_dim3A_20 {strides = array<i32>} : memref<4352xf32, #tpu.memory_space<vmem>>, vector<16xf32>,
      %mul3A_404 = arith.constant 128 : i32
      %mul3A_405 = arith.muli %scan3A_355, %mul3A_404 : i32
      %add3A_406 = arith.constant 64 : i32
      %add3A_407 = arith.addi %mul3A_405, %add3A_406 : i32
      %swap3A_408 = arith.index_cast %add3A_407 : i32 to index
      %swap3A_409 = tpu.vector_load %arg8[%swap3A_408] {strides = array<i32>} : memref<4352xf32, #tpu.memory_space<vmem>>, vector<16xf32>,
      tpu.vector_store %arg8[%swap3A_408], %broadcast_in_dim3A_20 {strides = array<i32>} : memref<4352xf32, #tpu.memory_space<vmem>>, vector<16xf32>,
      %swap3A_410 = arith.index_cast %add3A_407 : i32 to index
      %swap3A_411 = tpu.vector_load %arg9[%swap3A_410] {strides = array<i32>} : memref<4352xf32, #tpu.memory_space<vmem>>, vector<16xf32>,
      tpu.vector_store %arg9[%swap3A_410], %broadcast_in_dim3A_20 {strides = array<i32>} : memref<4352xf32, #tpu.memory_space<vmem>>, vector<16xf32>,
      %swap3A_412 = arith.index_cast %add3A_407 : i32 to index
      %swap3A_413 = tpu.vector_load %arg10[%swap3A_412] {strides = array<i32>} : memref<4352xf32, #tpu.memory_space<vmem>>, vector<16xf32>,
      tpu.vector_store %arg10[%swap3A_412], %broadcast_in_dim3A_20 {strides = array<i32>} : memref<4352xf32, #tpu.memory_space<vmem>>, vector<16xf32>,
      %swap3A_414 = arith.index_cast %add3A_407 : i32 to index
      %swap3A_415 = tpu.vector_load %arg11[%swap3A_414] {strides = array<i32>} : memref<4352xf32, #tpu.memory_space<vmem>>, vector<16xf32>,
      tpu.vector_store %arg11[%swap3A_414], %broadcast_in_dim3A_20 {strides = array<i32>} : memref<4352xf32, #tpu.memory_space<vmem>>, vector<16xf32>,
      %mul3A_416 = arith.constant 128 : i32
      %mul3A_417 = arith.muli %scan3A_355, %mul3A_416 : i32
      %add3A_418 = arith.constant 80 : i32
      %add3A_419 = arith.addi %mul3A_417, %add3A_418 : i32
      %swap3A_420 = arith.index_cast %add3A_419 : i32 to index
      %swap3A_421 = tpu.vector_load %arg8[%swap3A_420] {strides = array<i32>} : memref<4352xf32, #tpu.memory_space<vmem>>, vector<16xf32>,
      tpu.vector_store %arg8[%swap3A_420], %broadcast_in_dim3A_20 {strides = array<i32>} : memref<4352xf32, #tpu.memory_space<vmem>>, vector<16xf32>,
      %swap3A_422 = arith.index_cast %add3A_419 : i32 to index
      %swap3A_423 = tpu.vector_load %arg9[%swap3A_422] {strides = array<i32>} : memref<4352xf32, #tpu.memory_space<vmem>>, vector<16xf32>,
      tpu.vector_store %arg9[%swap3A_422], %broadcast_in_dim3A_20 {strides = array<i32>} : memref<4352xf32, #tpu.memory_space<vmem>>, vector<16xf32>,
      %swap3A_424 = arith.index_cast %add3A_419 : i32 to index
      %swap3A_425 = tpu.vector_load %arg10[%swap3A_424] {strides = array<i32>} : memref<4352xf32, #tpu.memory_space<vmem>>, vector<16xf32>,
      tpu.vector_store %arg10[%swap3A_424], %broadcast_in_dim3A_20 {strides = array<i32>} : memref<4352xf32, #tpu.memory_space<vmem>>, vector<16xf32>,
      %swap3A_426 = arith.index_cast %add3A_419 : i32 to index
      %swap3A_427 = tpu.vector_load %arg11[%swap3A_426] {strides = array<i32>} : memref<4352xf32, #tpu.memory_space<vmem>>, vector<16xf32>,
      tpu.vector_store %arg11[%swap3A_426], %broadcast_in_dim3A_20 {strides = array<i32>} : memref<4352xf32, #tpu.memory_space<vmem>>, vector<16xf32>,
      %mul3A_428 = arith.constant 128 : i32
      %mul3A_429 = arith.muli %scan3A_355, %mul3A_428 : i32
      %add3A_430 = arith.constant 96 : i32
      %add3A_431 = arith.addi %mul3A_429, %add3A_430 : i32
      %swap3A_432 = arith.index_cast %add3A_431 : i32 to index
      %swap3A_433 = tpu.vector_load %arg8[%swap3A_432] {strides = array<i32>} : memref<4352xf32, #tpu.memory_space<vmem>>, vector<16xf32>,
      tpu.vector_store %arg8[%swap3A_432], %broadcast_in_dim3A_20 {strides = array<i32>} : memref<4352xf32, #tpu.memory_space<vmem>>, vector<16xf32>,
      %swap3A_434 = arith.index_cast %add3A_431 : i32 to index
      %swap3A_435 = tpu.vector_load %arg9[%swap3A_434] {strides = array<i32>} : memref<4352xf32, #tpu.memory_space<vmem>>, vector<16xf32>,
      tpu.vector_store %arg9[%swap3A_434], %broadcast_in_dim3A_20 {strides = array<i32>} : memref<4352xf32, #tpu.memory_space<vmem>>, vector<16xf32>,
      %swap3A_436 = arith.index_cast %add3A_431 : i32 to index
      %swap3A_437 = tpu.vector_load %arg10[%swap3A_436] {strides = array<i32>} : memref<4352xf32, #tpu.memory_space<vmem>>, vector<16xf32>,
      tpu.vector_store %arg10[%swap3A_436], %broadcast_in_dim3A_20 {strides = array<i32>} : memref<4352xf32, #tpu.memory_space<vmem>>, vector<16xf32>,
      %swap3A_438 = arith.index_cast %add3A_431 : i32 to index
      %swap3A_439 = tpu.vector_load %arg11[%swap3A_438] {strides = array<i32>} : memref<4352xf32, #tpu.memory_space<vmem>>, vector<16xf32>,
      tpu.vector_store %arg11[%swap3A_438], %broadcast_in_dim3A_20 {strides = array<i32>} : memref<4352xf32, #tpu.memory_space<vmem>>, vector<16xf32>,
      %mul3A_440 = arith.constant 128 : i32
      %mul3A_441 = arith.muli %scan3A_355, %mul3A_440 : i32
      %add3A_442 = arith.constant 112 : i32
      %add3A_443 = arith.addi %mul3A_441, %add3A_442 : i32
      %swap3A_444 = arith.index_cast %add3A_443 : i32 to index
      %swap3A_445 = tpu.vector_load %arg8[%swap3A_444] {strides = array<i32>} : memref<4352xf32, #tpu.memory_space<vmem>>, vector<16xf32>,
      tpu.vector_store %arg8[%swap3A_444], %broadcast_in_dim3A_20 {strides = array<i32>} : memref<4352xf32, #tpu.memory_space<vmem>>, vector<16xf32>,
      %swap3A_446 = arith.index_cast %add3A_443 : i32 to index
      %swap3A_447 = tpu.vector_load %arg9[%swap3A_446] {strides = array<i32>} : memref<4352xf32, #tpu.memory_space<vmem>>, vector<16xf32>,
      tpu.vector_store %arg9[%swap3A_446], %broadcast_in_dim3A_20 {strides = array<i32>} : memref<4352xf32, #tpu.memory_space<vmem>>, vector<16xf32>,
      %swap3A_448 = arith.index_cast %add3A_443 : i32 to index
      %swap3A_449 = tpu.vector_load %arg10[%swap3A_448] {strides = array<i32>} : memref<4352xf32, #tpu.memory_space<vmem>>, vector<16xf32>,
      tpu.vector_store %arg10[%swap3A_448], %broadcast_in_dim3A_20 {strides = array<i32>} : memref<4352xf32, #tpu.memory_space<vmem>>, vector<16xf32>,
      %swap3A_450 = arith.index_cast %add3A_443 : i32 to index
      %swap3A_451 = tpu.vector_load %arg11[%swap3A_450] {strides = array<i32>} : memref<4352xf32, #tpu.memory_space<vmem>>, vector<16xf32>,
      tpu.vector_store %arg11[%swap3A_450], %broadcast_in_dim3A_20 {strides = array<i32>} : memref<4352xf32, #tpu.memory_space<vmem>>, vector<16xf32>,
    }
    %scan3A_25 = arith.constant 34 : i32
    %dma_wait3A = arith.constant 0 : i32
    %dma_wait3A_26 = tpu.memref_slice %arg2[%mul3A_2, %dma_wait3A] : memref<1024x320xf32, #tpu.memory_space<hbm>> -> memref<32x320xf32, #tpu.memory_space<hbm>>
    %dma_wait3A_27 = arith.constant 0 : i32
    %dma_wait3A_28 = tpu.memref_slice %arg2[%mul3A_2, %dma_wait3A_27] : memref<1024x320xf32, #tpu.memory_space<hbm>> -> memref<32x320xf32, #tpu.memory_space<hbm>>
    tpu.wait_dma2 semaphore(%arg15 : memref<!tpu.dma_semaphore, #tpu.memory_space<semaphore_mem>>) src(%dma_wait3A_28 : memref<32x320xf32, #tpu.memory_space<hbm>>) dst(%arg5 : memref<32x320xf32, #tpu.memory_space<vmem>>)
    %dma_wait3A_29 = arith.constant 0 : i32
    %dma_wait3A_30 = tpu.memref_slice %arg3[%dma_wait3A_29] : memref<1344xi32, #tpu.memory_space<hbm>> -> memref<320xi32, #tpu.memory_space<hbm>>
    %dma_wait3A_31 = arith.constant 0 : i32
    %dma_wait3A_32 = tpu.memref_slice %arg3[%dma_wait3A_31] : memref<1344xi32, #tpu.memory_space<hbm>> -> memref<320xi32, #tpu.memory_space<hbm>>
    tpu.wait_dma2 semaphore(%arg15 : memref<!tpu.dma_semaphore, #tpu.memory_space<semaphore_mem>>) src(%dma_wait3A_32 : memref<320xi32, #tpu.memory_space<hbm>>) dst(%arg6 : memref<320xi32, #tpu.memory_space<vmem>>)
    %dma_wait3A_33 = arith.constant 0 : i32
    %dma_wait3A_34 = tpu.memref_slice %arg7[%dma_wait3A_33] : memref<48xi32, #tpu.memory_space<vmem>> -> memref<32xi32, #tpu.memory_space<vmem>>
    %dma_wait3A_35 = tpu.memref_slice %arg3[%add3A_13] : memref<1344xi32, #tpu.memory_space<hbm>> -> memref<32xi32, #tpu.memory_space<hbm>>
    %dma_wait3A_36 = arith.constant 0 : i32
    %dma_wait3A_37 = tpu.memref_slice %arg7[%dma_wait3A_36] : memref<48xi32, #tpu.memory_space<vmem>> -> memref<32xi32, #tpu.memory_space<vmem>>
    %dma_wait3A_38 = tpu.memref_slice %arg3[%add3A_13] : memref<1344xi32, #tpu.memory_space<hbm>> -> memref<32xi32, #tpu.memory_space<hbm>>
    tpu.wait_dma2 semaphore(%arg15 : memref<!tpu.dma_semaphore, #tpu.memory_space<semaphore_mem>>) src(%dma_wait3A_38 : memref<32xi32, #tpu.memory_space<hbm>>) dst(%dma_wait3A_37 : memref<32xi32, #tpu.memory_space<vmem>>)
    %iota3A = tpu.iota {dimensions = array<i32: 0>} : vector<16xi32>
    %scan3A_39 = arith.constant 0 : i32
    %scan3A_40 = arith.constant 0 : i32
    %scan3A_41 = arith.constant 32 : i32
    %scan3A_42 = arith.addi %scan3A_40, %scan3A_41 : i32
    %scan3A_43 = arith.constant 1 : i32
    scf.for %scan3A_355 = %scan3A_40 to %scan3A_42 step %scan3A_43  : i32 {
      %get3A = arith.index_cast %scan3A_355 : i32 to index
      %get3A_356 = tpu.vector_load %arg7[%get3A] {strides = array<i32>} : memref<48xi32, #tpu.memory_space<vmem>>, vector<16xi32>,
      %slice3A = vector.extract_strided_slice %get3A_356 {offsets = [0], sizes = [1], strides = [1]} : vector<16xi32> to vector<1xi32>
      %squeeze3A = vector.extract %slice3A[0] : i32 from vector<1xi32>
      %scan3A_357 = arith.constant 0 : i32
      %scan3A_358 = arith.constant 5 : i32
      %scan3A_359 = arith.addi %scan3A_357, %scan3A_358 : i32
      %scan3A_360 = arith.constant 1 : i32
      scf.for %scan3A_362 = %scan3A_357 to %scan3A_359 step %scan3A_360  : i32 {
        %mul3A_363 = arith.constant 4 : i32
        %mul3A_364 = arith.muli %scan3A_362, %mul3A_363 : i32
        %add3A_365 = arith.constant 0 : i32
        %add3A_366 = arith.addi %mul3A_364, %add3A_365 : i32
        %mul3A_367 = arith.constant 16 : i32
        %mul3A_368 = arith.muli %add3A_366, %mul3A_367 : i32
        %get3A_369 = arith.index_cast %scan3A_355 : i32 to index
        %get3A_370 = arith.index_cast %mul3A_368 : i32 to index
        %get3A_371 = tpu.vector_load %arg5[%get3A_369, %get3A_370] {strides = array<i32>} : memref<32x320xf32, #tpu.memory_space<vmem>>, vector<16xf32>,
        %mul3A_372 = arith.constant 6.400000e+01 : f32
        %mul3A_373 = vector.broadcast %mul3A_372 : f32 to vector<16xf32>
        %mul3A_374 = arith.mulf %get3A_371, %mul3A_373 : vector<16xf32>
        %convert_element_type3A = arith.fptosi %mul3A_374 : vector<16xf32> to vector<16xi32>
        %convert_element_type3A_375 = arith.sitofp %convert_element_type3A : vector<16xi32> to vector<16xf32>
        %sub3A = arith.subf %mul3A_374, %convert_element_type3A_375 : vector<16xf32>
        %add3A_376 = arith.constant 1.000000e+00 : f32
        %add3A_377 = vector.broadcast %add3A_376 : f32 to vector<16xf32>
        %add3A_378 = arith.addf %convert_element_type3A_375, %add3A_377 : vector<16xf32>
        %sub3A_379 = arith.subf %add3A_378, %mul3A_374 : vector<16xf32>
        %mul3A_380 = arith.constant 16 : i32
        %mul3A_381 = arith.muli %add3A_366, %mul3A_380 : i32
        %get3A_382 = arith.index_cast %mul3A_381 : i32 to index
        %get3A_383 = tpu.vector_load %arg6[%get3A_382] {strides = array<i32>} : memref<320xi32, #tpu.memory_space<vmem>>, vector<16xi32>,
        %eq3A = vector.broadcast %squeeze3A : i32 to vector<16xi32>
        %eq3A_384 = arith.cmpi eq, %get3A_383, %eq3A : vector<16xi32>
        %jit3A = arith.constant 64 : i32
        %jit3A_385 = arith.constant 200 : i32
        %broadcast_in_dim3A_386 = vector.broadcast %jit3A : i32 to vector<16xi32>
        %broadcast_in_dim3A_387 = vector.broadcast %jit3A_385 : i32 to vector<16xi32>
        %select_n3A = arith.select %eq3A_384, %broadcast_in_dim3A_386, %broadcast_in_dim3A_387 : vector<16xi1>, vector<16xi32>
        %add3A_388 = arith.addi %select_n3A, %convert_element_type3A : vector<16xi32>
        %mul3A_389 = arith.constant 16 : i32
        %mul3A_390 = vector.broadcast %mul3A_389 : i32 to vector<16xi32>
        %mul3A_391 = arith.muli %add3A_388, %mul3A_390 : vector<16xi32>
        %add3A_392 = arith.addi %mul3A_391, %iota3A : vector<16xi32>
        tpu.vector_store_idx %arg8[%add3A_392], %sub3A {add = true} : memref<4352xf32, #tpu.memory_space<vmem>>[vector<16xi32>], vector<16xf32>,
        %add3A_393 = arith.constant 16 : i32
        %add3A_394 = vector.broadcast %add3A_393 : i32 to vector<16xi32>
        %add3A_395 = arith.addi %add3A_392, %add3A_394 : vector<16xi32>
        tpu.vector_store_idx %arg8[%add3A_395], %sub3A_379 {add = true} : memref<4352xf32, #tpu.memory_space<vmem>>[vector<16xi32>], vector<16xf32>,
        %mul3A_396 = arith.constant 4 : i32
        %mul3A_397 = arith.muli %scan3A_362, %mul3A_396 : i32
        %add3A_398 = arith.constant 1 : i32
        %add3A_399 = arith.addi %mul3A_397, %add3A_398 : i32
        %mul3A_400 = arith.constant 16 : i32
        %mul3A_401 = arith.muli %add3A_399, %mul3A_400 : i32
        %get3A_402 = arith.index_cast %scan3A_355 : i32 to index
        %get3A_403 = arith.index_cast %mul3A_401 : i32 to index
        %get3A_404 = tpu.vector_load %arg5[%get3A_402, %get3A_403] {strides = array<i32>} : memref<32x320xf32, #tpu.memory_space<vmem>>, vector<16xf32>,
        %mul3A_405 = arith.constant 6.400000e+01 : f32
        %mul3A_406 = vector.broadcast %mul3A_405 : f32 to vector<16xf32>
        %mul3A_407 = arith.mulf %get3A_404, %mul3A_406 : vector<16xf32>
        %convert_element_type3A_408 = arith.fptosi %mul3A_407 : vector<16xf32> to vector<16xi32>
        %convert_element_type3A_409 = arith.sitofp %convert_element_type3A_408 : vector<16xi32> to vector<16xf32>
        %sub3A_410 = arith.subf %mul3A_407, %convert_element_type3A_409 : vector<16xf32>
        %add3A_411 = arith.constant 1.000000e+00 : f32
        %add3A_412 = vector.broadcast %add3A_411 : f32 to vector<16xf32>
        %add3A_413 = arith.addf %convert_element_type3A_409, %add3A_412 : vector<16xf32>
        %sub3A_414 = arith.subf %add3A_413, %mul3A_407 : vector<16xf32>
        %mul3A_415 = arith.constant 16 : i32
        %mul3A_416 = arith.muli %add3A_399, %mul3A_415 : i32
        %get3A_417 = arith.index_cast %mul3A_416 : i32 to index
        %get3A_418 = tpu.vector_load %arg6[%get3A_417] {strides = array<i32>} : memref<320xi32, #tpu.memory_space<vmem>>, vector<16xi32>,
        %eq3A_419 = vector.broadcast %squeeze3A : i32 to vector<16xi32>
        %eq3A_420 = arith.cmpi eq, %get3A_418, %eq3A_419 : vector<16xi32>
        %jit3A_421 = arith.constant 64 : i32
        %jit3A_422 = arith.constant 200 : i32
        %broadcast_in_dim3A_423 = vector.broadcast %jit3A_421 : i32 to vector<16xi32>
        %broadcast_in_dim3A_424 = vector.broadcast %jit3A_422 : i32 to vector<16xi32>
        %select_n3A_425 = arith.select %eq3A_420, %broadcast_in_dim3A_423, %broadcast_in_dim3A_424 : vector<16xi1>, vector<16xi32>
        %add3A_426 = arith.addi %select_n3A_425, %convert_element_type3A_408 : vector<16xi32>
        %mul3A_427 = arith.constant 16 : i32
        %mul3A_428 = vector.broadcast %mul3A_427 : i32 to vector<16xi32>
        %mul3A_429 = arith.muli %add3A_426, %mul3A_428 : vector<16xi32>
        %add3A_430 = arith.addi %mul3A_429, %iota3A : vector<16xi32>
        tpu.vector_store_idx %arg9[%add3A_430], %sub3A_410 {add = true} : memref<4352xf32, #tpu.memory_space<vmem>>[vector<16xi32>], vector<16xf32>,
        %add3A_431 = arith.constant 16 : i32
        %add3A_432 = vector.broadcast %add3A_431 : i32 to vector<16xi32>
        %add3A_433 = arith.addi %add3A_430, %add3A_432 : vector<16xi32>
        tpu.vector_store_idx %arg9[%add3A_433], %sub3A_414 {add = true} : memref<4352xf32, #tpu.memory_space<vmem>>[vector<16xi32>], vector<16xf32>,
        %mul3A_434 = arith.constant 4 : i32
        %mul3A_435 = arith.muli %scan3A_362, %mul3A_434 : i32
        %add3A_436 = arith.constant 2 : i32
        %add3A_437 = arith.addi %mul3A_435, %add3A_436 : i32
        %mul3A_438 = arith.constant 16 : i32
        %mul3A_439 = arith.muli %add3A_437, %mul3A_438 : i32
        %get3A_440 = arith.index_cast %scan3A_355 : i32 to index
        %get3A_441 = arith.index_cast %mul3A_439 : i32 to index
        %get3A_442 = tpu.vector_load %arg5[%get3A_440, %get3A_441] {strides = array<i32>} : memref<32x320xf32, #tpu.memory_space<vmem>>, vector<16xf32>,
        %mul3A_443 = arith.constant 6.400000e+01 : f32
        %mul3A_444 = vector.broadcast %mul3A_443 : f32 to vector<16xf32>
        %mul3A_445 = arith.mulf %get3A_442, %mul3A_444 : vector<16xf32>
        %convert_element_type3A_446 = arith.fptosi %mul3A_445 : vector<16xf32> to vector<16xi32>
        %convert_element_type3A_447 = arith.sitofp %convert_element_type3A_446 : vector<16xi32> to vector<16xf32>
        %sub3A_448 = arith.subf %mul3A_445, %convert_element_type3A_447 : vector<16xf32>
        %add3A_449 = arith.constant 1.000000e+00 : f32
        %add3A_450 = vector.broadcast %add3A_449 : f32 to vector<16xf32>
        %add3A_451 = arith.addf %convert_element_type3A_447, %add3A_450 : vector<16xf32>
        %sub3A_452 = arith.subf %add3A_451, %mul3A_445 : vector<16xf32>
        %mul3A_453 = arith.constant 16 : i32
        %mul3A_454 = arith.muli %add3A_437, %mul3A_453 : i32
        %get3A_455 = arith.index_cast %mul3A_454 : i32 to index
        %get3A_456 = tpu.vector_load %arg6[%get3A_455] {strides = array<i32>} : memref<320xi32, #tpu.memory_space<vmem>>, vector<16xi32>,
        %eq3A_457 = vector.broadcast %squeeze3A : i32 to vector<16xi32>
        %eq3A_458 = arith.cmpi eq, %get3A_456, %eq3A_457 : vector<16xi32>
        %jit3A_459 = arith.constant 64 : i32
        %jit3A_460 = arith.constant 200 : i32
        %broadcast_in_dim3A_461 = vector.broadcast %jit3A_459 : i32 to vector<16xi32>
        %broadcast_in_dim3A_462 = vector.broadcast %jit3A_460 : i32 to vector<16xi32>
        %select_n3A_463 = arith.select %eq3A_458, %broadcast_in_dim3A_461, %broadcast_in_dim3A_462 : vector<16xi1>, vector<16xi32>
        %add3A_464 = arith.addi %select_n3A_463, %convert_element_type3A_446 : vector<16xi32>
        %mul3A_465 = arith.constant 16 : i32
        %mul3A_466 = vector.broadcast %mul3A_465 : i32 to vector<16xi32>
        %mul3A_467 = arith.muli %add3A_464, %mul3A_466 : vector<16xi32>
        %add3A_468 = arith.addi %mul3A_467, %iota3A : vector<16xi32>
        tpu.vector_store_idx %arg10[%add3A_468], %sub3A_448 {add = true} : memref<4352xf32, #tpu.memory_space<vmem>>[vector<16xi32>], vector<16xf32>,
        %add3A_469 = arith.constant 16 : i32
        %add3A_470 = vector.broadcast %add3A_469 : i32 to vector<16xi32>
        %add3A_471 = arith.addi %add3A_468, %add3A_470 : vector<16xi32>
        tpu.vector_store_idx %arg10[%add3A_471], %sub3A_452 {add = true} : memref<4352xf32, #tpu.memory_space<vmem>>[vector<16xi32>], vector<16xf32>,
        %mul3A_472 = arith.constant 4 : i32
        %mul3A_473 = arith.muli %scan3A_362, %mul3A_472 : i32
        %add3A_474 = arith.constant 3 : i32
        %add3A_475 = arith.addi %mul3A_473, %add3A_474 : i32
        %mul3A_476 = arith.constant 16 : i32
        %mul3A_477 = arith.muli %add3A_475, %mul3A_476 : i32
        %get3A_478 = arith.index_cast %scan3A_355 : i32 to index
        %get3A_479 = arith.index_cast %mul3A_477 : i32 to index
        %get3A_480 = tpu.vector_load %arg5[%get3A_478, %get3A_479] {strides = array<i32>} : memref<32x320xf32, #tpu.memory_space<vmem>>, vector<16xf32>,
        %mul3A_481 = arith.constant 6.400000e+01 : f32
        %mul3A_482 = vector.broadcast %mul3A_481 : f32 to vector<16xf32>
        %mul3A_483 = arith.mulf %get3A_480, %mul3A_482 : vector<16xf32>
        %convert_element_type3A_484 = arith.fptosi %mul3A_483 : vector<16xf32> to vector<16xi32>
        %convert_element_type3A_485 = arith.sitofp %convert_element_type3A_484 : vector<16xi32> to vector<16xf32>
        %sub3A_486 = arith.subf %mul3A_483, %convert_element_type3A_485 : vector<16xf32>
        %add3A_487 = arith.constant 1.000000e+00 : f32
        %add3A_488 = vector.broadcast %add3A_487 : f32 to vector<16xf32>
        %add3A_489 = arith.addf %convert_element_type3A_485, %add3A_488 : vector<16xf32>
        %sub3A_490 = arith.subf %add3A_489, %mul3A_483 : vector<16xf32>
        %mul3A_491 = arith.constant 16 : i32
        %mul3A_492 = arith.muli %add3A_475, %mul3A_491 : i32
        %get3A_493 = arith.index_cast %mul3A_492 : i32 to index
        %get3A_494 = tpu.vector_load %arg6[%get3A_493] {strides = array<i32>} : memref<320xi32, #tpu.memory_space<vmem>>, vector<16xi32>,
        %eq3A_495 = vector.broadcast %squeeze3A : i32 to vector<16xi32>
        %eq3A_496 = arith.cmpi eq, %get3A_494, %eq3A_495 : vector<16xi32>
        %jit3A_497 = arith.constant 64 : i32
        %jit3A_498 = arith.constant 200 : i32
        %broadcast_in_dim3A_499 = vector.broadcast %jit3A_497 : i32 to vector<16xi32>
        %broadcast_in_dim3A_500 = vector.broadcast %jit3A_498 : i32 to vector<16xi32>
        %select_n3A_501 = arith.select %eq3A_496, %broadcast_in_dim3A_499, %broadcast_in_dim3A_500 : vector<16xi1>, vector<16xi32>
        %add3A_502 = arith.addi %select_n3A_501, %convert_element_type3A_484 : vector<16xi32>
        %mul3A_503 = arith.constant 16 : i32
        %mul3A_504 = vector.broadcast %mul3A_503 : i32 to vector<16xi32>
        %mul3A_505 = arith.muli %add3A_502, %mul3A_504 : vector<16xi32>
        %add3A_506 = arith.addi %mul3A_505, %iota3A : vector<16xi32>
        tpu.vector_store_idx %arg11[%add3A_506], %sub3A_486 {add = true} : memref<4352xf32, #tpu.memory_space<vmem>>[vector<16xi32>], vector<16xf32>,
        %add3A_507 = arith.constant 16 : i32
        %add3A_508 = vector.broadcast %add3A_507 : i32 to vector<16xi32>
        %add3A_509 = arith.addi %add3A_506, %add3A_508 : vector<16xi32>
        tpu.vector_store_idx %arg11[%add3A_509], %sub3A_490 {add = true} : memref<4352xf32, #tpu.memory_space<vmem>>[vector<16xi32>], vector<16xf32>,
      }
      %scan3A_361 = arith.constant 5 : i32
    }
    %scan3A_44 = arith.constant 32 : i32
    %scan3A_45 = arith.constant 0 : i32
    %scan3A_46 = arith.constant 0 : i32
    %scan3A_47 = arith.constant 34 : i32
    %scan3A_48 = arith.addi %scan3A_46, %scan3A_47 : i32
    %scan3A_49 = arith.constant 1 : i32
    scf.for %scan3A_355 = %scan3A_46 to %scan3A_48 step %scan3A_49  : i32 {
      %mul3A_356 = arith.constant 128 : i32
      %mul3A_357 = arith.muli %scan3A_355, %mul3A_356 : i32
      %add3A_358 = arith.constant 0 : i32
      %add3A_359 = arith.addi %mul3A_357, %add3A_358 : i32
      %get3A = arith.index_cast %add3A_359 : i32 to index
      %get3A_360 = tpu.vector_load %arg8[%get3A] {strides = array<i32>} : memref<4352xf32, #tpu.memory_space<vmem>>, vector<16xf32>,
      %get3A_361 = arith.index_cast %add3A_359 : i32 to index
      %get3A_362 = tpu.vector_load %arg9[%get3A_361] {strides = array<i32>} : memref<4352xf32, #tpu.memory_space<vmem>>, vector<16xf32>,
      %add3A_363 = arith.addf %get3A_360, %get3A_362 : vector<16xf32>
      %get3A_364 = arith.index_cast %add3A_359 : i32 to index
      %get3A_365 = tpu.vector_load %arg10[%get3A_364] {strides = array<i32>} : memref<4352xf32, #tpu.memory_space<vmem>>, vector<16xf32>,
      %get3A_366 = arith.index_cast %add3A_359 : i32 to index
      %get3A_367 = tpu.vector_load %arg11[%get3A_366] {strides = array<i32>} : memref<4352xf32, #tpu.memory_space<vmem>>, vector<16xf32>,
      %add3A_368 = arith.addf %get3A_365, %get3A_367 : vector<16xf32>
      %add3A_369 = arith.addf %add3A_363, %add3A_368 : vector<16xf32>
      %swap3A_370 = arith.index_cast %add3A_359 : i32 to index
      %swap3A_371 = tpu.vector_load %arg8[%swap3A_370] {strides = array<i32>} : memref<4352xf32, #tpu.memory_space<vmem>>, vector<16xf32>,
      tpu.vector_store %arg8[%swap3A_370], %add3A_369 {strides = array<i32>} : memref<4352xf32, #tpu.memory_space<vmem>>, vector<16xf32>,
      %mul3A_372 = arith.constant 128 : i32
      %mul3A_373 = arith.muli %scan3A_355, %mul3A_372 : i32
      %add3A_374 = arith.constant 16 : i32
      %add3A_375 = arith.addi %mul3A_373, %add3A_374 : i32
      %get3A_376 = arith.index_cast %add3A_375 : i32 to index
      %get3A_377 = tpu.vector_load %arg8[%get3A_376] {strides = array<i32>} : memref<4352xf32, #tpu.memory_space<vmem>>, vector<16xf32>,
      %get3A_378 = arith.index_cast %add3A_375 : i32 to index
      %get3A_379 = tpu.vector_load %arg9[%get3A_378] {strides = array<i32>} : memref<4352xf32, #tpu.memory_space<vmem>>, vector<16xf32>,
      %add3A_380 = arith.addf %get3A_377, %get3A_379 : vector<16xf32>
      %get3A_381 = arith.index_cast %add3A_375 : i32 to index
      %get3A_382 = tpu.vector_load %arg10[%get3A_381] {strides = array<i32>} : memref<4352xf32, #tpu.memory_space<vmem>>, vector<16xf32>,
      %get3A_383 = arith.index_cast %add3A_375 : i32 to index
      %get3A_384 = tpu.vector_load %arg11[%get3A_383] {strides = array<i32>} : memref<4352xf32, #tpu.memory_space<vmem>>, vector<16xf32>,
      %add3A_385 = arith.addf %get3A_382, %get3A_384 : vector<16xf32>
      %add3A_386 = arith.addf %add3A_380, %add3A_385 : vector<16xf32>
      %swap3A_387 = arith.index_cast %add3A_375 : i32 to index
      %swap3A_388 = tpu.vector_load %arg8[%swap3A_387] {strides = array<i32>} : memref<4352xf32, #tpu.memory_space<vmem>>, vector<16xf32>,
      tpu.vector_store %arg8[%swap3A_387], %add3A_386 {strides = array<i32>} : memref<4352xf32, #tpu.memory_space<vmem>>, vector<16xf32>,
      %mul3A_389 = arith.constant 128 : i32
      %mul3A_390 = arith.muli %scan3A_355, %mul3A_389 : i32
      %add3A_391 = arith.constant 32 : i32
      %add3A_392 = arith.addi %mul3A_390, %add3A_391 : i32
      %get3A_393 = arith.index_cast %add3A_392 : i32 to index
      %get3A_394 = tpu.vector_load %arg8[%get3A_393] {strides = array<i32>} : memref<4352xf32, #tpu.memory_space<vmem>>, vector<16xf32>,
      %get3A_395 = arith.index_cast %add3A_392 : i32 to index
      %get3A_396 = tpu.vector_load %arg9[%get3A_395] {strides = array<i32>} : memref<4352xf32, #tpu.memory_space<vmem>>, vector<16xf32>,
      %add3A_397 = arith.addf %get3A_394, %get3A_396 : vector<16xf32>
      %get3A_398 = arith.index_cast %add3A_392 : i32 to index
      %get3A_399 = tpu.vector_load %arg10[%get3A_398] {strides = array<i32>} : memref<4352xf32, #tpu.memory_space<vmem>>, vector<16xf32>,
      %get3A_400 = arith.index_cast %add3A_392 : i32 to index
      %get3A_401 = tpu.vector_load %arg11[%get3A_400] {strides = array<i32>} : memref<4352xf32, #tpu.memory_space<vmem>>, vector<16xf32>,
      %add3A_402 = arith.addf %get3A_399, %get3A_401 : vector<16xf32>
      %add3A_403 = arith.addf %add3A_397, %add3A_402 : vector<16xf32>
      %swap3A_404 = arith.index_cast %add3A_392 : i32 to index
      %swap3A_405 = tpu.vector_load %arg8[%swap3A_404] {strides = array<i32>} : memref<4352xf32, #tpu.memory_space<vmem>>, vector<16xf32>,
      tpu.vector_store %arg8[%swap3A_404], %add3A_403 {strides = array<i32>} : memref<4352xf32, #tpu.memory_space<vmem>>, vector<16xf32>,
      %mul3A_406 = arith.constant 128 : i32
      %mul3A_407 = arith.muli %scan3A_355, %mul3A_406 : i32
      %add3A_408 = arith.constant 48 : i32
      %add3A_409 = arith.addi %mul3A_407, %add3A_408 : i32
      %get3A_410 = arith.index_cast %add3A_409 : i32 to index
      %get3A_411 = tpu.vector_load %arg8[%get3A_410] {strides = array<i32>} : memref<4352xf32, #tpu.memory_space<vmem>>, vector<16xf32>,
      %get3A_412 = arith.index_cast %add3A_409 : i32 to index
      %get3A_413 = tpu.vector_load %arg9[%get3A_412] {strides = array<i32>} : memref<4352xf32, #tpu.memory_space<vmem>>, vector<16xf32>,
      %add3A_414 = arith.addf %get3A_411, %get3A_413 : vector<16xf32>
      %get3A_415 = arith.index_cast %add3A_409 : i32 to index
      %get3A_416 = tpu.vector_load %arg10[%get3A_415] {strides = array<i32>} : memref<4352xf32, #tpu.memory_space<vmem>>, vector<16xf32>,
      %get3A_417 = arith.index_cast %add3A_409 : i32 to index
      %get3A_418 = tpu.vector_load %arg11[%get3A_417] {strides = array<i32>} : memref<4352xf32, #tpu.memory_space<vmem>>, vector<16xf32>,
      %add3A_419 = arith.addf %get3A_416, %get3A_418 : vector<16xf32>
      %add3A_420 = arith.addf %add3A_414, %add3A_419 : vector<16xf32>
      %swap3A_421 = arith.index_cast %add3A_409 : i32 to index
      %swap3A_422 = tpu.vector_load %arg8[%swap3A_421] {strides = array<i32>} : memref<4352xf32, #tpu.memory_space<vmem>>, vector<16xf32>,
      tpu.vector_store %arg8[%swap3A_421], %add3A_420 {strides = array<i32>} : memref<4352xf32, #tpu.memory_space<vmem>>, vector<16xf32>,
      %mul3A_423 = arith.constant 128 : i32
      %mul3A_424 = arith.muli %scan3A_355, %mul3A_423 : i32
      %add3A_425 = arith.constant 64 : i32
      %add3A_426 = arith.addi %mul3A_424, %add3A_425 : i32
      %get3A_427 = arith.index_cast %add3A_426 : i32 to index
      %get3A_428 = tpu.vector_load %arg8[%get3A_427] {strides = array<i32>} : memref<4352xf32, #tpu.memory_space<vmem>>, vector<16xf32>,
      %get3A_429 = arith.index_cast %add3A_426 : i32 to index
      %get3A_430 = tpu.vector_load %arg9[%get3A_429] {strides = array<i32>} : memref<4352xf32, #tpu.memory_space<vmem>>, vector<16xf32>,
      %add3A_431 = arith.addf %get3A_428, %get3A_430 : vector<16xf32>
      %get3A_432 = arith.index_cast %add3A_426 : i32 to index
      %get3A_433 = tpu.vector_load %arg10[%get3A_432] {strides = array<i32>} : memref<4352xf32, #tpu.memory_space<vmem>>, vector<16xf32>,
      %get3A_434 = arith.index_cast %add3A_426 : i32 to index
      %get3A_435 = tpu.vector_load %arg11[%get3A_434] {strides = array<i32>} : memref<4352xf32, #tpu.memory_space<vmem>>, vector<16xf32>,
      %add3A_436 = arith.addf %get3A_433, %get3A_435 : vector<16xf32>
      %add3A_437 = arith.addf %add3A_431, %add3A_436 : vector<16xf32>
      %swap3A_438 = arith.index_cast %add3A_426 : i32 to index
      %swap3A_439 = tpu.vector_load %arg8[%swap3A_438] {strides = array<i32>} : memref<4352xf32, #tpu.memory_space<vmem>>, vector<16xf32>,
      tpu.vector_store %arg8[%swap3A_438], %add3A_437 {strides = array<i32>} : memref<4352xf32, #tpu.memory_space<vmem>>, vector<16xf32>,
      %mul3A_440 = arith.constant 128 : i32
      %mul3A_441 = arith.muli %scan3A_355, %mul3A_440 : i32
      %add3A_442 = arith.constant 80 : i32
      %add3A_443 = arith.addi %mul3A_441, %add3A_442 : i32
      %get3A_444 = arith.index_cast %add3A_443 : i32 to index
      %get3A_445 = tpu.vector_load %arg8[%get3A_444] {strides = array<i32>} : memref<4352xf32, #tpu.memory_space<vmem>>, vector<16xf32>,
      %get3A_446 = arith.index_cast %add3A_443 : i32 to index
      %get3A_447 = tpu.vector_load %arg9[%get3A_446] {strides = array<i32>} : memref<4352xf32, #tpu.memory_space<vmem>>, vector<16xf32>,
      %add3A_448 = arith.addf %get3A_445, %get3A_447 : vector<16xf32>
      %get3A_449 = arith.index_cast %add3A_443 : i32 to index
      %get3A_450 = tpu.vector_load %arg10[%get3A_449] {strides = array<i32>} : memref<4352xf32, #tpu.memory_space<vmem>>, vector<16xf32>,
      %get3A_451 = arith.index_cast %add3A_443 : i32 to index
      %get3A_452 = tpu.vector_load %arg11[%get3A_451] {strides = array<i32>} : memref<4352xf32, #tpu.memory_space<vmem>>, vector<16xf32>,
      %add3A_453 = arith.addf %get3A_450, %get3A_452 : vector<16xf32>
      %add3A_454 = arith.addf %add3A_448, %add3A_453 : vector<16xf32>
      %swap3A_455 = arith.index_cast %add3A_443 : i32 to index
      %swap3A_456 = tpu.vector_load %arg8[%swap3A_455] {strides = array<i32>} : memref<4352xf32, #tpu.memory_space<vmem>>, vector<16xf32>,
      tpu.vector_store %arg8[%swap3A_455], %add3A_454 {strides = array<i32>} : memref<4352xf32, #tpu.memory_space<vmem>>, vector<16xf32>,
      %mul3A_457 = arith.constant 128 : i32
      %mul3A_458 = arith.muli %scan3A_355, %mul3A_457 : i32
      %add3A_459 = arith.constant 96 : i32
      %add3A_460 = arith.addi %mul3A_458, %add3A_459 : i32
      %get3A_461 = arith.index_cast %add3A_460 : i32 to index
      %get3A_462 = tpu.vector_load %arg8[%get3A_461] {strides = array<i32>} : memref<4352xf32, #tpu.memory_space<vmem>>, vector<16xf32>,
      %get3A_463 = arith.index_cast %add3A_460 : i32 to index
      %get3A_464 = tpu.vector_load %arg9[%get3A_463] {strides = array<i32>} : memref<4352xf32, #tpu.memory_space<vmem>>, vector<16xf32>,
      %add3A_465 = arith.addf %get3A_462, %get3A_464 : vector<16xf32>
      %get3A_466 = arith.index_cast %add3A_460 : i32 to index
      %get3A_467 = tpu.vector_load %arg10[%get3A_466] {strides = array<i32>} : memref<4352xf32, #tpu.memory_space<vmem>>, vector<16xf32>,
      %get3A_468 = arith.index_cast %add3A_460 : i32 to index
      %get3A_469 = tpu.vector_load %arg11[%get3A_468] {strides = array<i32>} : memref<4352xf32, #tpu.memory_space<vmem>>, vector<16xf32>,
      %add3A_470 = arith.addf %get3A_467, %get3A_469 : vector<16xf32>
      %add3A_471 = arith.addf %add3A_465, %add3A_470 : vector<16xf32>
      %swap3A_472 = arith.index_cast %add3A_460 : i32 to index
      %swap3A_473 = tpu.vector_load %arg8[%swap3A_472] {strides = array<i32>} : memref<4352xf32, #tpu.memory_space<vmem>>, vector<16xf32>,
      tpu.vector_store %arg8[%swap3A_472], %add3A_471 {strides = array<i32>} : memref<4352xf32, #tpu.memory_space<vmem>>, vector<16xf32>,
      %mul3A_474 = arith.constant 128 : i32
      %mul3A_475 = arith.muli %scan3A_355, %mul3A_474 : i32
      %add3A_476 = arith.constant 112 : i32
      %add3A_477 = arith.addi %mul3A_475, %add3A_476 : i32
      %get3A_478 = arith.index_cast %add3A_477 : i32 to index
      %get3A_479 = tpu.vector_load %arg8[%get3A_478] {strides = array<i32>} : memref<4352xf32, #tpu.memory_space<vmem>>, vector<16xf32>,
      %get3A_480 = arith.index_cast %add3A_477 : i32 to index
      %get3A_481 = tpu.vector_load %arg9[%get3A_480] {strides = array<i32>} : memref<4352xf32, #tpu.memory_space<vmem>>, vector<16xf32>,
      %add3A_482 = arith.addf %get3A_479, %get3A_481 : vector<16xf32>
      %get3A_483 = arith.index_cast %add3A_477 : i32 to index
      %get3A_484 = tpu.vector_load %arg10[%get3A_483] {strides = array<i32>} : memref<4352xf32, #tpu.memory_space<vmem>>, vector<16xf32>,
      %get3A_485 = arith.index_cast %add3A_477 : i32 to index
      %get3A_486 = tpu.vector_load %arg11[%get3A_485] {strides = array<i32>} : memref<4352xf32, #tpu.memory_space<vmem>>, vector<16xf32>,
      %add3A_487 = arith.addf %get3A_484, %get3A_486 : vector<16xf32>
      %add3A_488 = arith.addf %add3A_482, %add3A_487 : vector<16xf32>
      %swap3A_489 = arith.index_cast %add3A_477 : i32 to index
      %swap3A_490 = tpu.vector_load %arg8[%swap3A_489] {strides = array<i32>} : memref<4352xf32, #tpu.memory_space<vmem>>, vector<16xf32>,
      tpu.vector_store %arg8[%swap3A_489], %add3A_488 {strides = array<i32>} : memref<4352xf32, #tpu.memory_space<vmem>>, vector<16xf32>,
    }
    %scan3A_50 = arith.constant 34 : i32
    %add3A_51 = arith.constant 0 : i32
    %add3A_52 = arith.addi %add3A_51, %arg1 : i32
    %mul3A_53 = arith.constant 272 : i32
    %mul3A_54 = arith.muli %add3A_52, %mul3A_53 : i32
    %dma_start3A_55 = arith.constant 0 : i32
    %dma_start3A_56 = tpu.memref_slice %arg8[%dma_start3A_55] : memref<4352xf32, #tpu.memory_space<vmem>> -> memref<272xf32, #tpu.memory_space<vmem>>
    %dma_start3A_57 = tpu.memref_slice %arg12[%mul3A_54] : memref<69632xf32, #tpu.memory_space<vmem_shared>> -> memref<272xf32, #tpu.memory_space<vmem_shared>>
    %dma_start3A_58 = tpu.memref_slice %arg12[%mul3A_54] : memref<69632xf32, #tpu.memory_space<vmem_shared>> -> memref<272xf32, #tpu.memory_space<vmem_shared>>
    %dma_start3A_59 = arith.constant 0 : i32
    %dma_start3A_60 = tpu.memref_slice %arg8[%dma_start3A_59] : memref<4352xf32, #tpu.memory_space<vmem>> -> memref<272xf32, #tpu.memory_space<vmem>>
    tpu.enqueue_dma source(%dma_start3A_60 : memref<272xf32, #tpu.memory_space<vmem>>) target(%dma_start3A_58 : memref<272xf32, #tpu.memory_space<vmem_shared>>) target_semaphore(%arg15 : memref<!tpu.dma_semaphore, #tpu.memory_space<semaphore_mem>>)
    %add3A_61 = arith.constant 16 : i32
    %add3A_62 = arith.addi %add3A_61, %arg1 : i32
    %mul3A_63 = arith.constant 272 : i32
    %mul3A_64 = arith.muli %add3A_62, %mul3A_63 : i32
    %dma_start3A_65 = arith.constant 272 : i32
    %dma_start3A_66 = tpu.memref_slice %arg8[%dma_start3A_65] : memref<4352xf32, #tpu.memory_space<vmem>> -> memref<272xf32, #tpu.memory_space<vmem>>
    %dma_start3A_67 = tpu.memref_slice %arg12[%mul3A_64] : memref<69632xf32, #tpu.memory_space<vmem_shared>> -> memref<272xf32, #tpu.memory_space<vmem_shared>>
    %dma_start3A_68 = tpu.memref_slice %arg12[%mul3A_64] : memref<69632xf32, #tpu.memory_space<vmem_shared>> -> memref<272xf32, #tpu.memory_space<vmem_shared>>
    %dma_start3A_69 = arith.constant 272 : i32
    %dma_start3A_70 = tpu.memref_slice %arg8[%dma_start3A_69] : memref<4352xf32, #tpu.memory_space<vmem>> -> memref<272xf32, #tpu.memory_space<vmem>>
    tpu.enqueue_dma source(%dma_start3A_70 : memref<272xf32, #tpu.memory_space<vmem>>) target(%dma_start3A_68 : memref<272xf32, #tpu.memory_space<vmem_shared>>) target_semaphore(%arg15 : memref<!tpu.dma_semaphore, #tpu.memory_space<semaphore_mem>>)
    %add3A_71 = arith.constant 32 : i32
    %add3A_72 = arith.addi %add3A_71, %arg1 : i32
    %mul3A_73 = arith.constant 272 : i32
    %mul3A_74 = arith.muli %add3A_72, %mul3A_73 : i32
    %dma_start3A_75 = arith.constant 544 : i32
    %dma_start3A_76 = tpu.memref_slice %arg8[%dma_start3A_75] : memref<4352xf32, #tpu.memory_space<vmem>> -> memref<272xf32, #tpu.memory_space<vmem>>
    %dma_start3A_77 = tpu.memref_slice %arg12[%mul3A_74] : memref<69632xf32, #tpu.memory_space<vmem_shared>> -> memref<272xf32, #tpu.memory_space<vmem_shared>>
    %dma_start3A_78 = tpu.memref_slice %arg12[%mul3A_74] : memref<69632xf32, #tpu.memory_space<vmem_shared>> -> memref<272xf32, #tpu.memory_space<vmem_shared>>
    %dma_start3A_79 = arith.constant 544 : i32
    %dma_start3A_80 = tpu.memref_slice %arg8[%dma_start3A_79] : memref<4352xf32, #tpu.memory_space<vmem>> -> memref<272xf32, #tpu.memory_space<vmem>>
    tpu.enqueue_dma source(%dma_start3A_80 : memref<272xf32, #tpu.memory_space<vmem>>) target(%dma_start3A_78 : memref<272xf32, #tpu.memory_space<vmem_shared>>) target_semaphore(%arg15 : memref<!tpu.dma_semaphore, #tpu.memory_space<semaphore_mem>>)
    %add3A_81 = arith.constant 48 : i32
    %add3A_82 = arith.addi %add3A_81, %arg1 : i32
    %mul3A_83 = arith.constant 272 : i32
    %mul3A_84 = arith.muli %add3A_82, %mul3A_83 : i32
    %dma_start3A_85 = arith.constant 816 : i32
    %dma_start3A_86 = tpu.memref_slice %arg8[%dma_start3A_85] : memref<4352xf32, #tpu.memory_space<vmem>> -> memref<272xf32, #tpu.memory_space<vmem>>
    %dma_start3A_87 = tpu.memref_slice %arg12[%mul3A_84] : memref<69632xf32, #tpu.memory_space<vmem_shared>> -> memref<272xf32, #tpu.memory_space<vmem_shared>>
    %dma_start3A_88 = tpu.memref_slice %arg12[%mul3A_84] : memref<69632xf32, #tpu.memory_space<vmem_shared>> -> memref<272xf32, #tpu.memory_space<vmem_shared>>
    %dma_start3A_89 = arith.constant 816 : i32
    %dma_start3A_90 = tpu.memref_slice %arg8[%dma_start3A_89] : memref<4352xf32, #tpu.memory_space<vmem>> -> memref<272xf32, #tpu.memory_space<vmem>>
    tpu.enqueue_dma source(%dma_start3A_90 : memref<272xf32, #tpu.memory_space<vmem>>) target(%dma_start3A_88 : memref<272xf32, #tpu.memory_space<vmem_shared>>) target_semaphore(%arg15 : memref<!tpu.dma_semaphore, #tpu.memory_space<semaphore_mem>>)
    %add3A_91 = arith.constant 64 : i32
    %add3A_92 = arith.addi %add3A_91, %arg1 : i32
    %mul3A_93 = arith.constant 272 : i32
    %mul3A_94 = arith.muli %add3A_92, %mul3A_93 : i32
    %dma_start3A_95 = arith.constant 1088 : i32
    %dma_start3A_96 = tpu.memref_slice %arg8[%dma_start3A_95] : memref<4352xf32, #tpu.memory_space<vmem>> -> memref<272xf32, #tpu.memory_space<vmem>>
    %dma_start3A_97 = tpu.memref_slice %arg12[%mul3A_94] : memref<69632xf32, #tpu.memory_space<vmem_shared>> -> memref<272xf32, #tpu.memory_space<vmem_shared>>
    %dma_start3A_98 = tpu.memref_slice %arg12[%mul3A_94] : memref<69632xf32, #tpu.memory_space<vmem_shared>> -> memref<272xf32, #tpu.memory_space<vmem_shared>>
    %dma_start3A_99 = arith.constant 1088 : i32
    %dma_start3A_100 = tpu.memref_slice %arg8[%dma_start3A_99] : memref<4352xf32, #tpu.memory_space<vmem>> -> memref<272xf32, #tpu.memory_space<vmem>>
    tpu.enqueue_dma source(%dma_start3A_100 : memref<272xf32, #tpu.memory_space<vmem>>) target(%dma_start3A_98 : memref<272xf32, #tpu.memory_space<vmem_shared>>) target_semaphore(%arg15 : memref<!tpu.dma_semaphore, #tpu.memory_space<semaphore_mem>>)
    %add3A_101 = arith.constant 80 : i32
    %add3A_102 = arith.addi %add3A_101, %arg1 : i32
    %mul3A_103 = arith.constant 272 : i32
    %mul3A_104 = arith.muli %add3A_102, %mul3A_103 : i32
    %dma_start3A_105 = arith.constant 1360 : i32
    %dma_start3A_106 = tpu.memref_slice %arg8[%dma_start3A_105] : memref<4352xf32, #tpu.memory_space<vmem>> -> memref<272xf32, #tpu.memory_space<vmem>>
    %dma_start3A_107 = tpu.memref_slice %arg12[%mul3A_104] : memref<69632xf32, #tpu.memory_space<vmem_shared>> -> memref<272xf32, #tpu.memory_space<vmem_shared>>
    %dma_start3A_108 = tpu.memref_slice %arg12[%mul3A_104] : memref<69632xf32, #tpu.memory_space<vmem_shared>> -> memref<272xf32, #tpu.memory_space<vmem_shared>>
    %dma_start3A_109 = arith.constant 1360 : i32
    %dma_start3A_110 = tpu.memref_slice %arg8[%dma_start3A_109] : memref<4352xf32, #tpu.memory_space<vmem>> -> memref<272xf32, #tpu.memory_space<vmem>>
    tpu.enqueue_dma source(%dma_start3A_110 : memref<272xf32, #tpu.memory_space<vmem>>) target(%dma_start3A_108 : memref<272xf32, #tpu.memory_space<vmem_shared>>) target_semaphore(%arg15 : memref<!tpu.dma_semaphore, #tpu.memory_space<semaphore_mem>>)
    %add3A_111 = arith.constant 96 : i32
    %add3A_112 = arith.addi %add3A_111, %arg1 : i32
    %mul3A_113 = arith.constant 272 : i32
    %mul3A_114 = arith.muli %add3A_112, %mul3A_113 : i32
    %dma_start3A_115 = arith.constant 1632 : i32
    %dma_start3A_116 = tpu.memref_slice %arg8[%dma_start3A_115] : memref<4352xf32, #tpu.memory_space<vmem>> -> memref<272xf32, #tpu.memory_space<vmem>>
    %dma_start3A_117 = tpu.memref_slice %arg12[%mul3A_114] : memref<69632xf32, #tpu.memory_space<vmem_shared>> -> memref<272xf32, #tpu.memory_space<vmem_shared>>
    %dma_start3A_118 = tpu.memref_slice %arg12[%mul3A_114] : memref<69632xf32, #tpu.memory_space<vmem_shared>> -> memref<272xf32, #tpu.memory_space<vmem_shared>>
    %dma_start3A_119 = arith.constant 1632 : i32
    %dma_start3A_120 = tpu.memref_slice %arg8[%dma_start3A_119] : memref<4352xf32, #tpu.memory_space<vmem>> -> memref<272xf32, #tpu.memory_space<vmem>>
    tpu.enqueue_dma source(%dma_start3A_120 : memref<272xf32, #tpu.memory_space<vmem>>) target(%dma_start3A_118 : memref<272xf32, #tpu.memory_space<vmem_shared>>) target_semaphore(%arg15 : memref<!tpu.dma_semaphore, #tpu.memory_space<semaphore_mem>>)
    %add3A_121 = arith.constant 112 : i32
    %add3A_122 = arith.addi %add3A_121, %arg1 : i32
    %mul3A_123 = arith.constant 272 : i32
    %mul3A_124 = arith.muli %add3A_122, %mul3A_123 : i32
    %dma_start3A_125 = arith.constant 1904 : i32
    %dma_start3A_126 = tpu.memref_slice %arg8[%dma_start3A_125] : memref<4352xf32, #tpu.memory_space<vmem>> -> memref<272xf32, #tpu.memory_space<vmem>>
    %dma_start3A_127 = tpu.memref_slice %arg12[%mul3A_124] : memref<69632xf32, #tpu.memory_space<vmem_shared>> -> memref<272xf32, #tpu.memory_space<vmem_shared>>
    %dma_start3A_128 = tpu.memref_slice %arg12[%mul3A_124] : memref<69632xf32, #tpu.memory_space<vmem_shared>> -> memref<272xf32, #tpu.memory_space<vmem_shared>>
    %dma_start3A_129 = arith.constant 1904 : i32
    %dma_start3A_130 = tpu.memref_slice %arg8[%dma_start3A_129] : memref<4352xf32, #tpu.memory_space<vmem>> -> memref<272xf32, #tpu.memory_space<vmem>>
    tpu.enqueue_dma source(%dma_start3A_130 : memref<272xf32, #tpu.memory_space<vmem>>) target(%dma_start3A_128 : memref<272xf32, #tpu.memory_space<vmem_shared>>) target_semaphore(%arg15 : memref<!tpu.dma_semaphore, #tpu.memory_space<semaphore_mem>>)
    %add3A_131 = arith.constant 128 : i32
    %add3A_132 = arith.addi %add3A_131, %arg1 : i32
    %mul3A_133 = arith.constant 272 : i32
    %mul3A_134 = arith.muli %add3A_132, %mul3A_133 : i32
    %dma_start3A_135 = arith.constant 2176 : i32
    %dma_start3A_136 = tpu.memref_slice %arg8[%dma_start3A_135] : memref<4352xf32, #tpu.memory_space<vmem>> -> memref<272xf32, #tpu.memory_space<vmem>>
    %dma_start3A_137 = tpu.memref_slice %arg12[%mul3A_134] : memref<69632xf32, #tpu.memory_space<vmem_shared>> -> memref<272xf32, #tpu.memory_space<vmem_shared>>
    %dma_start3A_138 = tpu.memref_slice %arg12[%mul3A_134] : memref<69632xf32, #tpu.memory_space<vmem_shared>> -> memref<272xf32, #tpu.memory_space<vmem_shared>>
    %dma_start3A_139 = arith.constant 2176 : i32
    %dma_start3A_140 = tpu.memref_slice %arg8[%dma_start3A_139] : memref<4352xf32, #tpu.memory_space<vmem>> -> memref<272xf32, #tpu.memory_space<vmem>>
    tpu.enqueue_dma source(%dma_start3A_140 : memref<272xf32, #tpu.memory_space<vmem>>) target(%dma_start3A_138 : memref<272xf32, #tpu.memory_space<vmem_shared>>) target_semaphore(%arg15 : memref<!tpu.dma_semaphore, #tpu.memory_space<semaphore_mem>>)
    %add3A_141 = arith.constant 144 : i32
    %add3A_142 = arith.addi %add3A_141, %arg1 : i32
    %mul3A_143 = arith.constant 272 : i32
    %mul3A_144 = arith.muli %add3A_142, %mul3A_143 : i32
    %dma_start3A_145 = arith.constant 2448 : i32
    %dma_start3A_146 = tpu.memref_slice %arg8[%dma_start3A_145] : memref<4352xf32, #tpu.memory_space<vmem>> -> memref<272xf32, #tpu.memory_space<vmem>>
    %dma_start3A_147 = tpu.memref_slice %arg12[%mul3A_144] : memref<69632xf32, #tpu.memory_space<vmem_shared>> -> memref<272xf32, #tpu.memory_space<vmem_shared>>
    %dma_start3A_148 = tpu.memref_slice %arg12[%mul3A_144] : memref<69632xf32, #tpu.memory_space<vmem_shared>> -> memref<272xf32, #tpu.memory_space<vmem_shared>>
    %dma_start3A_149 = arith.constant 2448 : i32
    %dma_start3A_150 = tpu.memref_slice %arg8[%dma_start3A_149] : memref<4352xf32, #tpu.memory_space<vmem>> -> memref<272xf32, #tpu.memory_space<vmem>>
    tpu.enqueue_dma source(%dma_start3A_150 : memref<272xf32, #tpu.memory_space<vmem>>) target(%dma_start3A_148 : memref<272xf32, #tpu.memory_space<vmem_shared>>) target_semaphore(%arg15 : memref<!tpu.dma_semaphore, #tpu.memory_space<semaphore_mem>>)
    %add3A_151 = arith.constant 160 : i32
    %add3A_152 = arith.addi %add3A_151, %arg1 : i32
    %mul3A_153 = arith.constant 272 : i32
    %mul3A_154 = arith.muli %add3A_152, %mul3A_153 : i32
    %dma_start3A_155 = arith.constant 2720 : i32
    %dma_start3A_156 = tpu.memref_slice %arg8[%dma_start3A_155] : memref<4352xf32, #tpu.memory_space<vmem>> -> memref<272xf32, #tpu.memory_space<vmem>>
    %dma_start3A_157 = tpu.memref_slice %arg12[%mul3A_154] : memref<69632xf32, #tpu.memory_space<vmem_shared>> -> memref<272xf32, #tpu.memory_space<vmem_shared>>
    %dma_start3A_158 = tpu.memref_slice %arg12[%mul3A_154] : memref<69632xf32, #tpu.memory_space<vmem_shared>> -> memref<272xf32, #tpu.memory_space<vmem_shared>>
    %dma_start3A_159 = arith.constant 2720 : i32
    %dma_start3A_160 = tpu.memref_slice %arg8[%dma_start3A_159] : memref<4352xf32, #tpu.memory_space<vmem>> -> memref<272xf32, #tpu.memory_space<vmem>>
    tpu.enqueue_dma source(%dma_start3A_160 : memref<272xf32, #tpu.memory_space<vmem>>) target(%dma_start3A_158 : memref<272xf32, #tpu.memory_space<vmem_shared>>) target_semaphore(%arg15 : memref<!tpu.dma_semaphore, #tpu.memory_space<semaphore_mem>>)
    %add3A_161 = arith.constant 176 : i32
    %add3A_162 = arith.addi %add3A_161, %arg1 : i32
    %mul3A_163 = arith.constant 272 : i32
    %mul3A_164 = arith.muli %add3A_162, %mul3A_163 : i32
    %dma_start3A_165 = arith.constant 2992 : i32
    %dma_start3A_166 = tpu.memref_slice %arg8[%dma_start3A_165] : memref<4352xf32, #tpu.memory_space<vmem>> -> memref<272xf32, #tpu.memory_space<vmem>>
    %dma_start3A_167 = tpu.memref_slice %arg12[%mul3A_164] : memref<69632xf32, #tpu.memory_space<vmem_shared>> -> memref<272xf32, #tpu.memory_space<vmem_shared>>
    %dma_start3A_168 = tpu.memref_slice %arg12[%mul3A_164] : memref<69632xf32, #tpu.memory_space<vmem_shared>> -> memref<272xf32, #tpu.memory_space<vmem_shared>>
    %dma_start3A_169 = arith.constant 2992 : i32
    %dma_start3A_170 = tpu.memref_slice %arg8[%dma_start3A_169] : memref<4352xf32, #tpu.memory_space<vmem>> -> memref<272xf32, #tpu.memory_space<vmem>>
    tpu.enqueue_dma source(%dma_start3A_170 : memref<272xf32, #tpu.memory_space<vmem>>) target(%dma_start3A_168 : memref<272xf32, #tpu.memory_space<vmem_shared>>) target_semaphore(%arg15 : memref<!tpu.dma_semaphore, #tpu.memory_space<semaphore_mem>>)
    %add3A_171 = arith.constant 192 : i32
    %add3A_172 = arith.addi %add3A_171, %arg1 : i32
    %mul3A_173 = arith.constant 272 : i32
    %mul3A_174 = arith.muli %add3A_172, %mul3A_173 : i32
    %dma_start3A_175 = arith.constant 3264 : i32
    %dma_start3A_176 = tpu.memref_slice %arg8[%dma_start3A_175] : memref<4352xf32, #tpu.memory_space<vmem>> -> memref<272xf32, #tpu.memory_space<vmem>>
    %dma_start3A_177 = tpu.memref_slice %arg12[%mul3A_174] : memref<69632xf32, #tpu.memory_space<vmem_shared>> -> memref<272xf32, #tpu.memory_space<vmem_shared>>
    %dma_start3A_178 = tpu.memref_slice %arg12[%mul3A_174] : memref<69632xf32, #tpu.memory_space<vmem_shared>> -> memref<272xf32, #tpu.memory_space<vmem_shared>>
    %dma_start3A_179 = arith.constant 3264 : i32
    %dma_start3A_180 = tpu.memref_slice %arg8[%dma_start3A_179] : memref<4352xf32, #tpu.memory_space<vmem>> -> memref<272xf32, #tpu.memory_space<vmem>>
    tpu.enqueue_dma source(%dma_start3A_180 : memref<272xf32, #tpu.memory_space<vmem>>) target(%dma_start3A_178 : memref<272xf32, #tpu.memory_space<vmem_shared>>) target_semaphore(%arg15 : memref<!tpu.dma_semaphore, #tpu.memory_space<semaphore_mem>>)
    %add3A_181 = arith.constant 208 : i32
    %add3A_182 = arith.addi %add3A_181, %arg1 : i32
    %mul3A_183 = arith.constant 272 : i32
    %mul3A_184 = arith.muli %add3A_182, %mul3A_183 : i32
    %dma_start3A_185 = arith.constant 3536 : i32
    %dma_start3A_186 = tpu.memref_slice %arg8[%dma_start3A_185] : memref<4352xf32, #tpu.memory_space<vmem>> -> memref<272xf32, #tpu.memory_space<vmem>>
    %dma_start3A_187 = tpu.memref_slice %arg12[%mul3A_184] : memref<69632xf32, #tpu.memory_space<vmem_shared>> -> memref<272xf32, #tpu.memory_space<vmem_shared>>
    %dma_start3A_188 = tpu.memref_slice %arg12[%mul3A_184] : memref<69632xf32, #tpu.memory_space<vmem_shared>> -> memref<272xf32, #tpu.memory_space<vmem_shared>>
    %dma_start3A_189 = arith.constant 3536 : i32
    %dma_start3A_190 = tpu.memref_slice %arg8[%dma_start3A_189] : memref<4352xf32, #tpu.memory_space<vmem>> -> memref<272xf32, #tpu.memory_space<vmem>>
    tpu.enqueue_dma source(%dma_start3A_190 : memref<272xf32, #tpu.memory_space<vmem>>) target(%dma_start3A_188 : memref<272xf32, #tpu.memory_space<vmem_shared>>) target_semaphore(%arg15 : memref<!tpu.dma_semaphore, #tpu.memory_space<semaphore_mem>>)
    %add3A_191 = arith.constant 224 : i32
    %add3A_192 = arith.addi %add3A_191, %arg1 : i32
    %mul3A_193 = arith.constant 272 : i32
    %mul3A_194 = arith.muli %add3A_192, %mul3A_193 : i32
    %dma_start3A_195 = arith.constant 3808 : i32
    %dma_start3A_196 = tpu.memref_slice %arg8[%dma_start3A_195] : memref<4352xf32, #tpu.memory_space<vmem>> -> memref<272xf32, #tpu.memory_space<vmem>>
    %dma_start3A_197 = tpu.memref_slice %arg12[%mul3A_194] : memref<69632xf32, #tpu.memory_space<vmem_shared>> -> memref<272xf32, #tpu.memory_space<vmem_shared>>
    %dma_start3A_198 = tpu.memref_slice %arg12[%mul3A_194] : memref<69632xf32, #tpu.memory_space<vmem_shared>> -> memref<272xf32, #tpu.memory_space<vmem_shared>>
    %dma_start3A_199 = arith.constant 3808 : i32
    %dma_start3A_200 = tpu.memref_slice %arg8[%dma_start3A_199] : memref<4352xf32, #tpu.memory_space<vmem>> -> memref<272xf32, #tpu.memory_space<vmem>>
    tpu.enqueue_dma source(%dma_start3A_200 : memref<272xf32, #tpu.memory_space<vmem>>) target(%dma_start3A_198 : memref<272xf32, #tpu.memory_space<vmem_shared>>) target_semaphore(%arg15 : memref<!tpu.dma_semaphore, #tpu.memory_space<semaphore_mem>>)
    %add3A_201 = arith.constant 240 : i32
    %add3A_202 = arith.addi %add3A_201, %arg1 : i32
    %mul3A_203 = arith.constant 272 : i32
    %mul3A_204 = arith.muli %add3A_202, %mul3A_203 : i32
    %dma_start3A_205 = arith.constant 4080 : i32
    %dma_start3A_206 = tpu.memref_slice %arg8[%dma_start3A_205] : memref<4352xf32, #tpu.memory_space<vmem>> -> memref<272xf32, #tpu.memory_space<vmem>>
    %dma_start3A_207 = tpu.memref_slice %arg12[%mul3A_204] : memref<69632xf32, #tpu.memory_space<vmem_shared>> -> memref<272xf32, #tpu.memory_space<vmem_shared>>
    %dma_start3A_208 = tpu.memref_slice %arg12[%mul3A_204] : memref<69632xf32, #tpu.memory_space<vmem_shared>> -> memref<272xf32, #tpu.memory_space<vmem_shared>>
    %dma_start3A_209 = arith.constant 4080 : i32
    %dma_start3A_210 = tpu.memref_slice %arg8[%dma_start3A_209] : memref<4352xf32, #tpu.memory_space<vmem>> -> memref<272xf32, #tpu.memory_space<vmem>>
    tpu.enqueue_dma source(%dma_start3A_210 : memref<272xf32, #tpu.memory_space<vmem>>) target(%dma_start3A_208 : memref<272xf32, #tpu.memory_space<vmem_shared>>) target_semaphore(%arg15 : memref<!tpu.dma_semaphore, #tpu.memory_space<semaphore_mem>>)
    %dma_wait3A_211 = arith.constant 0 : i32
    %dma_wait3A_212 = tpu.memref_slice %arg8[%dma_wait3A_211] : memref<4352xf32, #tpu.memory_space<vmem>> -> memref<272xf32, #tpu.memory_space<vmem>>
    %dma_wait3A_213 = tpu.memref_slice %arg12[%mul3A_54] : memref<69632xf32, #tpu.memory_space<vmem_shared>> -> memref<272xf32, #tpu.memory_space<vmem_shared>>
    %dma_wait3A_214 = tpu.memref_slice %arg12[%mul3A_54] : memref<69632xf32, #tpu.memory_space<vmem_shared>> -> memref<272xf32, #tpu.memory_space<vmem_shared>>
    %dma_wait3A_215 = arith.constant 0 : i32
    %dma_wait3A_216 = tpu.memref_slice %arg8[%dma_wait3A_215] : memref<4352xf32, #tpu.memory_space<vmem>> -> memref<272xf32, #tpu.memory_space<vmem>>
    tpu.wait_dma2 semaphore(%arg15 : memref<!tpu.dma_semaphore, #tpu.memory_space<semaphore_mem>>) src(%dma_wait3A_216 : memref<272xf32, #tpu.memory_space<vmem>>) dst(%dma_wait3A_214 : memref<272xf32, #tpu.memory_space<vmem_shared>>)
    %dma_wait3A_217 = arith.constant 272 : i32
    %dma_wait3A_218 = tpu.memref_slice %arg8[%dma_wait3A_217] : memref<4352xf32, #tpu.memory_space<vmem>> -> memref<272xf32, #tpu.memory_space<vmem>>
    %dma_wait3A_219 = tpu.memref_slice %arg12[%mul3A_64] : memref<69632xf32, #tpu.memory_space<vmem_shared>> -> memref<272xf32, #tpu.memory_space<vmem_shared>>
    %dma_wait3A_220 = tpu.memref_slice %arg12[%mul3A_64] : memref<69632xf32, #tpu.memory_space<vmem_shared>> -> memref<272xf32, #tpu.memory_space<vmem_shared>>
    %dma_wait3A_221 = arith.constant 272 : i32
    %dma_wait3A_222 = tpu.memref_slice %arg8[%dma_wait3A_221] : memref<4352xf32, #tpu.memory_space<vmem>> -> memref<272xf32, #tpu.memory_space<vmem>>
    tpu.wait_dma2 semaphore(%arg15 : memref<!tpu.dma_semaphore, #tpu.memory_space<semaphore_mem>>) src(%dma_wait3A_222 : memref<272xf32, #tpu.memory_space<vmem>>) dst(%dma_wait3A_220 : memref<272xf32, #tpu.memory_space<vmem_shared>>)
    %dma_wait3A_223 = arith.constant 544 : i32
    %dma_wait3A_224 = tpu.memref_slice %arg8[%dma_wait3A_223] : memref<4352xf32, #tpu.memory_space<vmem>> -> memref<272xf32, #tpu.memory_space<vmem>>
    %dma_wait3A_225 = tpu.memref_slice %arg12[%mul3A_74] : memref<69632xf32, #tpu.memory_space<vmem_shared>> -> memref<272xf32, #tpu.memory_space<vmem_shared>>
    %dma_wait3A_226 = tpu.memref_slice %arg12[%mul3A_74] : memref<69632xf32, #tpu.memory_space<vmem_shared>> -> memref<272xf32, #tpu.memory_space<vmem_shared>>
    %dma_wait3A_227 = arith.constant 544 : i32
    %dma_wait3A_228 = tpu.memref_slice %arg8[%dma_wait3A_227] : memref<4352xf32, #tpu.memory_space<vmem>> -> memref<272xf32, #tpu.memory_space<vmem>>
    tpu.wait_dma2 semaphore(%arg15 : memref<!tpu.dma_semaphore, #tpu.memory_space<semaphore_mem>>) src(%dma_wait3A_228 : memref<272xf32, #tpu.memory_space<vmem>>) dst(%dma_wait3A_226 : memref<272xf32, #tpu.memory_space<vmem_shared>>)
    %dma_wait3A_229 = arith.constant 816 : i32
    %dma_wait3A_230 = tpu.memref_slice %arg8[%dma_wait3A_229] : memref<4352xf32, #tpu.memory_space<vmem>> -> memref<272xf32, #tpu.memory_space<vmem>>
    %dma_wait3A_231 = tpu.memref_slice %arg12[%mul3A_84] : memref<69632xf32, #tpu.memory_space<vmem_shared>> -> memref<272xf32, #tpu.memory_space<vmem_shared>>
    %dma_wait3A_232 = tpu.memref_slice %arg12[%mul3A_84] : memref<69632xf32, #tpu.memory_space<vmem_shared>> -> memref<272xf32, #tpu.memory_space<vmem_shared>>
    %dma_wait3A_233 = arith.constant 816 : i32
    %dma_wait3A_234 = tpu.memref_slice %arg8[%dma_wait3A_233] : memref<4352xf32, #tpu.memory_space<vmem>> -> memref<272xf32, #tpu.memory_space<vmem>>
    tpu.wait_dma2 semaphore(%arg15 : memref<!tpu.dma_semaphore, #tpu.memory_space<semaphore_mem>>) src(%dma_wait3A_234 : memref<272xf32, #tpu.memory_space<vmem>>) dst(%dma_wait3A_232 : memref<272xf32, #tpu.memory_space<vmem_shared>>)
    %dma_wait3A_235 = arith.constant 1088 : i32
    %dma_wait3A_236 = tpu.memref_slice %arg8[%dma_wait3A_235] : memref<4352xf32, #tpu.memory_space<vmem>> -> memref<272xf32, #tpu.memory_space<vmem>>
    %dma_wait3A_237 = tpu.memref_slice %arg12[%mul3A_94] : memref<69632xf32, #tpu.memory_space<vmem_shared>> -> memref<272xf32, #tpu.memory_space<vmem_shared>>
    %dma_wait3A_238 = tpu.memref_slice %arg12[%mul3A_94] : memref<69632xf32, #tpu.memory_space<vmem_shared>> -> memref<272xf32, #tpu.memory_space<vmem_shared>>
    %dma_wait3A_239 = arith.constant 1088 : i32
    %dma_wait3A_240 = tpu.memref_slice %arg8[%dma_wait3A_239] : memref<4352xf32, #tpu.memory_space<vmem>> -> memref<272xf32, #tpu.memory_space<vmem>>
    tpu.wait_dma2 semaphore(%arg15 : memref<!tpu.dma_semaphore, #tpu.memory_space<semaphore_mem>>) src(%dma_wait3A_240 : memref<272xf32, #tpu.memory_space<vmem>>) dst(%dma_wait3A_238 : memref<272xf32, #tpu.memory_space<vmem_shared>>)
    %dma_wait3A_241 = arith.constant 1360 : i32
    %dma_wait3A_242 = tpu.memref_slice %arg8[%dma_wait3A_241] : memref<4352xf32, #tpu.memory_space<vmem>> -> memref<272xf32, #tpu.memory_space<vmem>>
    %dma_wait3A_243 = tpu.memref_slice %arg12[%mul3A_104] : memref<69632xf32, #tpu.memory_space<vmem_shared>> -> memref<272xf32, #tpu.memory_space<vmem_shared>>
    %dma_wait3A_244 = tpu.memref_slice %arg12[%mul3A_104] : memref<69632xf32, #tpu.memory_space<vmem_shared>> -> memref<272xf32, #tpu.memory_space<vmem_shared>>
    %dma_wait3A_245 = arith.constant 1360 : i32
    %dma_wait3A_246 = tpu.memref_slice %arg8[%dma_wait3A_245] : memref<4352xf32, #tpu.memory_space<vmem>> -> memref<272xf32, #tpu.memory_space<vmem>>
    tpu.wait_dma2 semaphore(%arg15 : memref<!tpu.dma_semaphore, #tpu.memory_space<semaphore_mem>>) src(%dma_wait3A_246 : memref<272xf32, #tpu.memory_space<vmem>>) dst(%dma_wait3A_244 : memref<272xf32, #tpu.memory_space<vmem_shared>>)
    %dma_wait3A_247 = arith.constant 1632 : i32
    %dma_wait3A_248 = tpu.memref_slice %arg8[%dma_wait3A_247] : memref<4352xf32, #tpu.memory_space<vmem>> -> memref<272xf32, #tpu.memory_space<vmem>>
    %dma_wait3A_249 = tpu.memref_slice %arg12[%mul3A_114] : memref<69632xf32, #tpu.memory_space<vmem_shared>> -> memref<272xf32, #tpu.memory_space<vmem_shared>>
    %dma_wait3A_250 = tpu.memref_slice %arg12[%mul3A_114] : memref<69632xf32, #tpu.memory_space<vmem_shared>> -> memref<272xf32, #tpu.memory_space<vmem_shared>>
    %dma_wait3A_251 = arith.constant 1632 : i32
    %dma_wait3A_252 = tpu.memref_slice %arg8[%dma_wait3A_251] : memref<4352xf32, #tpu.memory_space<vmem>> -> memref<272xf32, #tpu.memory_space<vmem>>
    tpu.wait_dma2 semaphore(%arg15 : memref<!tpu.dma_semaphore, #tpu.memory_space<semaphore_mem>>) src(%dma_wait3A_252 : memref<272xf32, #tpu.memory_space<vmem>>) dst(%dma_wait3A_250 : memref<272xf32, #tpu.memory_space<vmem_shared>>)
    %dma_wait3A_253 = arith.constant 1904 : i32
    %dma_wait3A_254 = tpu.memref_slice %arg8[%dma_wait3A_253] : memref<4352xf32, #tpu.memory_space<vmem>> -> memref<272xf32, #tpu.memory_space<vmem>>
    %dma_wait3A_255 = tpu.memref_slice %arg12[%mul3A_124] : memref<69632xf32, #tpu.memory_space<vmem_shared>> -> memref<272xf32, #tpu.memory_space<vmem_shared>>
    %dma_wait3A_256 = tpu.memref_slice %arg12[%mul3A_124] : memref<69632xf32, #tpu.memory_space<vmem_shared>> -> memref<272xf32, #tpu.memory_space<vmem_shared>>
    %dma_wait3A_257 = arith.constant 1904 : i32
    %dma_wait3A_258 = tpu.memref_slice %arg8[%dma_wait3A_257] : memref<4352xf32, #tpu.memory_space<vmem>> -> memref<272xf32, #tpu.memory_space<vmem>>
    tpu.wait_dma2 semaphore(%arg15 : memref<!tpu.dma_semaphore, #tpu.memory_space<semaphore_mem>>) src(%dma_wait3A_258 : memref<272xf32, #tpu.memory_space<vmem>>) dst(%dma_wait3A_256 : memref<272xf32, #tpu.memory_space<vmem_shared>>)
    %dma_wait3A_259 = arith.constant 2176 : i32
    %dma_wait3A_260 = tpu.memref_slice %arg8[%dma_wait3A_259] : memref<4352xf32, #tpu.memory_space<vmem>> -> memref<272xf32, #tpu.memory_space<vmem>>
    %dma_wait3A_261 = tpu.memref_slice %arg12[%mul3A_134] : memref<69632xf32, #tpu.memory_space<vmem_shared>> -> memref<272xf32, #tpu.memory_space<vmem_shared>>
    %dma_wait3A_262 = tpu.memref_slice %arg12[%mul3A_134] : memref<69632xf32, #tpu.memory_space<vmem_shared>> -> memref<272xf32, #tpu.memory_space<vmem_shared>>
    %dma_wait3A_263 = arith.constant 2176 : i32
    %dma_wait3A_264 = tpu.memref_slice %arg8[%dma_wait3A_263] : memref<4352xf32, #tpu.memory_space<vmem>> -> memref<272xf32, #tpu.memory_space<vmem>>
    tpu.wait_dma2 semaphore(%arg15 : memref<!tpu.dma_semaphore, #tpu.memory_space<semaphore_mem>>) src(%dma_wait3A_264 : memref<272xf32, #tpu.memory_space<vmem>>) dst(%dma_wait3A_262 : memref<272xf32, #tpu.memory_space<vmem_shared>>)
    %dma_wait3A_265 = arith.constant 2448 : i32
    %dma_wait3A_266 = tpu.memref_slice %arg8[%dma_wait3A_265] : memref<4352xf32, #tpu.memory_space<vmem>> -> memref<272xf32, #tpu.memory_space<vmem>>
    %dma_wait3A_267 = tpu.memref_slice %arg12[%mul3A_144] : memref<69632xf32, #tpu.memory_space<vmem_shared>> -> memref<272xf32, #tpu.memory_space<vmem_shared>>
    %dma_wait3A_268 = tpu.memref_slice %arg12[%mul3A_144] : memref<69632xf32, #tpu.memory_space<vmem_shared>> -> memref<272xf32, #tpu.memory_space<vmem_shared>>
    %dma_wait3A_269 = arith.constant 2448 : i32
    %dma_wait3A_270 = tpu.memref_slice %arg8[%dma_wait3A_269] : memref<4352xf32, #tpu.memory_space<vmem>> -> memref<272xf32, #tpu.memory_space<vmem>>
    tpu.wait_dma2 semaphore(%arg15 : memref<!tpu.dma_semaphore, #tpu.memory_space<semaphore_mem>>) src(%dma_wait3A_270 : memref<272xf32, #tpu.memory_space<vmem>>) dst(%dma_wait3A_268 : memref<272xf32, #tpu.memory_space<vmem_shared>>)
    %dma_wait3A_271 = arith.constant 2720 : i32
    %dma_wait3A_272 = tpu.memref_slice %arg8[%dma_wait3A_271] : memref<4352xf32, #tpu.memory_space<vmem>> -> memref<272xf32, #tpu.memory_space<vmem>>
    %dma_wait3A_273 = tpu.memref_slice %arg12[%mul3A_154] : memref<69632xf32, #tpu.memory_space<vmem_shared>> -> memref<272xf32, #tpu.memory_space<vmem_shared>>
    %dma_wait3A_274 = tpu.memref_slice %arg12[%mul3A_154] : memref<69632xf32, #tpu.memory_space<vmem_shared>> -> memref<272xf32, #tpu.memory_space<vmem_shared>>
    %dma_wait3A_275 = arith.constant 2720 : i32
    %dma_wait3A_276 = tpu.memref_slice %arg8[%dma_wait3A_275] : memref<4352xf32, #tpu.memory_space<vmem>> -> memref<272xf32, #tpu.memory_space<vmem>>
    tpu.wait_dma2 semaphore(%arg15 : memref<!tpu.dma_semaphore, #tpu.memory_space<semaphore_mem>>) src(%dma_wait3A_276 : memref<272xf32, #tpu.memory_space<vmem>>) dst(%dma_wait3A_274 : memref<272xf32, #tpu.memory_space<vmem_shared>>)
    %dma_wait3A_277 = arith.constant 2992 : i32
    %dma_wait3A_278 = tpu.memref_slice %arg8[%dma_wait3A_277] : memref<4352xf32, #tpu.memory_space<vmem>> -> memref<272xf32, #tpu.memory_space<vmem>>
    %dma_wait3A_279 = tpu.memref_slice %arg12[%mul3A_164] : memref<69632xf32, #tpu.memory_space<vmem_shared>> -> memref<272xf32, #tpu.memory_space<vmem_shared>>
    %dma_wait3A_280 = tpu.memref_slice %arg12[%mul3A_164] : memref<69632xf32, #tpu.memory_space<vmem_shared>> -> memref<272xf32, #tpu.memory_space<vmem_shared>>
    %dma_wait3A_281 = arith.constant 2992 : i32
    %dma_wait3A_282 = tpu.memref_slice %arg8[%dma_wait3A_281] : memref<4352xf32, #tpu.memory_space<vmem>> -> memref<272xf32, #tpu.memory_space<vmem>>
    tpu.wait_dma2 semaphore(%arg15 : memref<!tpu.dma_semaphore, #tpu.memory_space<semaphore_mem>>) src(%dma_wait3A_282 : memref<272xf32, #tpu.memory_space<vmem>>) dst(%dma_wait3A_280 : memref<272xf32, #tpu.memory_space<vmem_shared>>)
    %dma_wait3A_283 = arith.constant 3264 : i32
    %dma_wait3A_284 = tpu.memref_slice %arg8[%dma_wait3A_283] : memref<4352xf32, #tpu.memory_space<vmem>> -> memref<272xf32, #tpu.memory_space<vmem>>
    %dma_wait3A_285 = tpu.memref_slice %arg12[%mul3A_174] : memref<69632xf32, #tpu.memory_space<vmem_shared>> -> memref<272xf32, #tpu.memory_space<vmem_shared>>
    %dma_wait3A_286 = tpu.memref_slice %arg12[%mul3A_174] : memref<69632xf32, #tpu.memory_space<vmem_shared>> -> memref<272xf32, #tpu.memory_space<vmem_shared>>
    %dma_wait3A_287 = arith.constant 3264 : i32
    %dma_wait3A_288 = tpu.memref_slice %arg8[%dma_wait3A_287] : memref<4352xf32, #tpu.memory_space<vmem>> -> memref<272xf32, #tpu.memory_space<vmem>>
    tpu.wait_dma2 semaphore(%arg15 : memref<!tpu.dma_semaphore, #tpu.memory_space<semaphore_mem>>) src(%dma_wait3A_288 : memref<272xf32, #tpu.memory_space<vmem>>) dst(%dma_wait3A_286 : memref<272xf32, #tpu.memory_space<vmem_shared>>)
    %dma_wait3A_289 = arith.constant 3536 : i32
    %dma_wait3A_290 = tpu.memref_slice %arg8[%dma_wait3A_289] : memref<4352xf32, #tpu.memory_space<vmem>> -> memref<272xf32, #tpu.memory_space<vmem>>
    %dma_wait3A_291 = tpu.memref_slice %arg12[%mul3A_184] : memref<69632xf32, #tpu.memory_space<vmem_shared>> -> memref<272xf32, #tpu.memory_space<vmem_shared>>
    %dma_wait3A_292 = tpu.memref_slice %arg12[%mul3A_184] : memref<69632xf32, #tpu.memory_space<vmem_shared>> -> memref<272xf32, #tpu.memory_space<vmem_shared>>
    %dma_wait3A_293 = arith.constant 3536 : i32
    %dma_wait3A_294 = tpu.memref_slice %arg8[%dma_wait3A_293] : memref<4352xf32, #tpu.memory_space<vmem>> -> memref<272xf32, #tpu.memory_space<vmem>>
    tpu.wait_dma2 semaphore(%arg15 : memref<!tpu.dma_semaphore, #tpu.memory_space<semaphore_mem>>) src(%dma_wait3A_294 : memref<272xf32, #tpu.memory_space<vmem>>) dst(%dma_wait3A_292 : memref<272xf32, #tpu.memory_space<vmem_shared>>)
    %dma_wait3A_295 = arith.constant 3808 : i32
    %dma_wait3A_296 = tpu.memref_slice %arg8[%dma_wait3A_295] : memref<4352xf32, #tpu.memory_space<vmem>> -> memref<272xf32, #tpu.memory_space<vmem>>
    %dma_wait3A_297 = tpu.memref_slice %arg12[%mul3A_194] : memref<69632xf32, #tpu.memory_space<vmem_shared>> -> memref<272xf32, #tpu.memory_space<vmem_shared>>
    %dma_wait3A_298 = tpu.memref_slice %arg12[%mul3A_194] : memref<69632xf32, #tpu.memory_space<vmem_shared>> -> memref<272xf32, #tpu.memory_space<vmem_shared>>
    %dma_wait3A_299 = arith.constant 3808 : i32
    %dma_wait3A_300 = tpu.memref_slice %arg8[%dma_wait3A_299] : memref<4352xf32, #tpu.memory_space<vmem>> -> memref<272xf32, #tpu.memory_space<vmem>>
    tpu.wait_dma2 semaphore(%arg15 : memref<!tpu.dma_semaphore, #tpu.memory_space<semaphore_mem>>) src(%dma_wait3A_300 : memref<272xf32, #tpu.memory_space<vmem>>) dst(%dma_wait3A_298 : memref<272xf32, #tpu.memory_space<vmem_shared>>)
    %dma_wait3A_301 = arith.constant 4080 : i32
    %dma_wait3A_302 = tpu.memref_slice %arg8[%dma_wait3A_301] : memref<4352xf32, #tpu.memory_space<vmem>> -> memref<272xf32, #tpu.memory_space<vmem>>
    %dma_wait3A_303 = tpu.memref_slice %arg12[%mul3A_204] : memref<69632xf32, #tpu.memory_space<vmem_shared>> -> memref<272xf32, #tpu.memory_space<vmem_shared>>
    %dma_wait3A_304 = tpu.memref_slice %arg12[%mul3A_204] : memref<69632xf32, #tpu.memory_space<vmem_shared>> -> memref<272xf32, #tpu.memory_space<vmem_shared>>
    %dma_wait3A_305 = arith.constant 4080 : i32
    %dma_wait3A_306 = tpu.memref_slice %arg8[%dma_wait3A_305] : memref<4352xf32, #tpu.memory_space<vmem>> -> memref<272xf32, #tpu.memory_space<vmem>>
    tpu.wait_dma2 semaphore(%arg15 : memref<!tpu.dma_semaphore, #tpu.memory_space<semaphore_mem>>) src(%dma_wait3A_306 : memref<272xf32, #tpu.memory_space<vmem>>) dst(%dma_wait3A_304 : memref<272xf32, #tpu.memory_space<vmem_shared>>)
    %barrier3A = arith.constant 0 : index
    tpu.barrier barrier_id(%barrier3A)
    %mul3A_307 = arith.constant 16 : i32
    %mul3A_308 = arith.muli %arg1, %mul3A_307 : i32
    %mul3A_309 = arith.constant 272 : i32
    %mul3A_310 = arith.muli %mul3A_308, %mul3A_309 : i32
    "tpu.region"() ({
      %run_scoped3A = tpu.sem_alloc : memref<!tpu.dma_semaphore, #tpu.memory_space<semaphore_mem>>
      %dma_start3A_355 = tpu.memref_slice %arg12[%mul3A_310] : memref<69632xf32, #tpu.memory_space<vmem_shared>> -> memref<4352xf32, #tpu.memory_space<vmem_shared>>
      %dma_start3A_356 = tpu.memref_slice %arg12[%mul3A_310] : memref<69632xf32, #tpu.memory_space<vmem_shared>> -> memref<4352xf32, #tpu.memory_space<vmem_shared>>
      tpu.enqueue_dma source(%dma_start3A_356 : memref<4352xf32, #tpu.memory_space<vmem_shared>>) target(%arg13 : memref<4352xf32, #tpu.memory_space<vmem>>) target_semaphore(%run_scoped3A : memref<!tpu.dma_semaphore, #tpu.memory_space<semaphore_mem>>)
      %dma_wait3A_357 = tpu.memref_slice %arg12[%mul3A_310] : memref<69632xf32, #tpu.memory_space<vmem_shared>> -> memref<4352xf32, #tpu.memory_space<vmem_shared>>
      %dma_wait3A_358 = tpu.memref_slice %arg12[%mul3A_310] : memref<69632xf32, #tpu.memory_space<vmem_shared>> -> memref<4352xf32, #tpu.memory_space<vmem_shared>>
      tpu.wait_dma2 semaphore(%run_scoped3A : memref<!tpu.dma_semaphore, #tpu.memory_space<semaphore_mem>>) src(%dma_wait3A_358 : memref<4352xf32, #tpu.memory_space<vmem_shared>>) dst(%arg13 : memref<4352xf32, #tpu.memory_space<vmem>>)
      tpu.yield
    }) : () -> ()
    %swap3A = arith.constant 0 : index
    %swap3A_311 = tpu.vector_load %arg14[%swap3A] {strides = array<i32>} : memref<272xf32, #tpu.memory_space<vmem>>, vector<16xf32>,
    tpu.vector_store %arg14[%swap3A], %broadcast_in_dim3A_20 {strides = array<i32>} : memref<272xf32, #tpu.memory_space<vmem>>, vector<16xf32>,
    %swap3A_312 = arith.constant 16 : index
    %swap3A_313 = tpu.vector_load %arg14[%swap3A_312] {strides = array<i32>} : memref<272xf32, #tpu.memory_space<vmem>>, vector<16xf32>,
    tpu.vector_store %arg14[%swap3A_312], %broadcast_in_dim3A_20 {strides = array<i32>} : memref<272xf32, #tpu.memory_space<vmem>>, vector<16xf32>,
    %swap3A_314 = arith.constant 32 : index
    %swap3A_315 = tpu.vector_load %arg14[%swap3A_314] {strides = array<i32>} : memref<272xf32, #tpu.memory_space<vmem>>, vector<16xf32>,
    tpu.vector_store %arg14[%swap3A_314], %broadcast_in_dim3A_20 {strides = array<i32>} : memref<272xf32, #tpu.memory_space<vmem>>, vector<16xf32>,
    %swap3A_316 = arith.constant 48 : index
    %swap3A_317 = tpu.vector_load %arg14[%swap3A_316] {strides = array<i32>} : memref<272xf32, #tpu.memory_space<vmem>>, vector<16xf32>,
    tpu.vector_store %arg14[%swap3A_316], %broadcast_in_dim3A_20 {strides = array<i32>} : memref<272xf32, #tpu.memory_space<vmem>>, vector<16xf32>,
    %swap3A_318 = arith.constant 64 : index
    %swap3A_319 = tpu.vector_load %arg14[%swap3A_318] {strides = array<i32>} : memref<272xf32, #tpu.memory_space<vmem>>, vector<16xf32>,
    tpu.vector_store %arg14[%swap3A_318], %broadcast_in_dim3A_20 {strides = array<i32>} : memref<272xf32, #tpu.memory_space<vmem>>, vector<16xf32>,
    %swap3A_320 = arith.constant 80 : index
    %swap3A_321 = tpu.vector_load %arg14[%swap3A_320] {strides = array<i32>} : memref<272xf32, #tpu.memory_space<vmem>>, vector<16xf32>,
    tpu.vector_store %arg14[%swap3A_320], %broadcast_in_dim3A_20 {strides = array<i32>} : memref<272xf32, #tpu.memory_space<vmem>>, vector<16xf32>,
    %swap3A_322 = arith.constant 96 : index
    %swap3A_323 = tpu.vector_load %arg14[%swap3A_322] {strides = array<i32>} : memref<272xf32, #tpu.memory_space<vmem>>, vector<16xf32>,
    tpu.vector_store %arg14[%swap3A_322], %broadcast_in_dim3A_20 {strides = array<i32>} : memref<272xf32, #tpu.memory_space<vmem>>, vector<16xf32>,
    %swap3A_324 = arith.constant 112 : index
    %swap3A_325 = tpu.vector_load %arg14[%swap3A_324] {strides = array<i32>} : memref<272xf32, #tpu.memory_space<vmem>>, vector<16xf32>,
    tpu.vector_store %arg14[%swap3A_324], %broadcast_in_dim3A_20 {strides = array<i32>} : memref<272xf32, #tpu.memory_space<vmem>>, vector<16xf32>,
    %swap3A_326 = arith.constant 128 : index
    %swap3A_327 = tpu.vector_load %arg14[%swap3A_326] {strides = array<i32>} : memref<272xf32, #tpu.memory_space<vmem>>, vector<16xf32>,
    tpu.vector_store %arg14[%swap3A_326], %broadcast_in_dim3A_20 {strides = array<i32>} : memref<272xf32, #tpu.memory_space<vmem>>, vector<16xf32>,
    %swap3A_328 = arith.constant 144 : index
    %swap3A_329 = tpu.vector_load %arg14[%swap3A_328] {strides = array<i32>} : memref<272xf32, #tpu.memory_space<vmem>>, vector<16xf32>,
    tpu.vector_store %arg14[%swap3A_328], %broadcast_in_dim3A_20 {strides = array<i32>} : memref<272xf32, #tpu.memory_space<vmem>>, vector<16xf32>,
    %swap3A_330 = arith.constant 160 : index
    %swap3A_331 = tpu.vector_load %arg14[%swap3A_330] {strides = array<i32>} : memref<272xf32, #tpu.memory_space<vmem>>, vector<16xf32>,
    tpu.vector_store %arg14[%swap3A_330], %broadcast_in_dim3A_20 {strides = array<i32>} : memref<272xf32, #tpu.memory_space<vmem>>, vector<16xf32>,
    %swap3A_332 = arith.constant 176 : index
    %swap3A_333 = tpu.vector_load %arg14[%swap3A_332] {strides = array<i32>} : memref<272xf32, #tpu.memory_space<vmem>>, vector<16xf32>,
    tpu.vector_store %arg14[%swap3A_332], %broadcast_in_dim3A_20 {strides = array<i32>} : memref<272xf32, #tpu.memory_space<vmem>>, vector<16xf32>,
    %swap3A_334 = arith.constant 192 : index
    %swap3A_335 = tpu.vector_load %arg14[%swap3A_334] {strides = array<i32>} : memref<272xf32, #tpu.memory_space<vmem>>, vector<16xf32>,
    tpu.vector_store %arg14[%swap3A_334], %broadcast_in_dim3A_20 {strides = array<i32>} : memref<272xf32, #tpu.memory_space<vmem>>, vector<16xf32>,
    %swap3A_336 = arith.constant 208 : index
    %swap3A_337 = tpu.vector_load %arg14[%swap3A_336] {strides = array<i32>} : memref<272xf32, #tpu.memory_space<vmem>>, vector<16xf32>,
    tpu.vector_store %arg14[%swap3A_336], %broadcast_in_dim3A_20 {strides = array<i32>} : memref<272xf32, #tpu.memory_space<vmem>>, vector<16xf32>,
    %swap3A_338 = arith.constant 224 : index
    %swap3A_339 = tpu.vector_load %arg14[%swap3A_338] {strides = array<i32>} : memref<272xf32, #tpu.memory_space<vmem>>, vector<16xf32>,
    tpu.vector_store %arg14[%swap3A_338], %broadcast_in_dim3A_20 {strides = array<i32>} : memref<272xf32, #tpu.memory_space<vmem>>, vector<16xf32>,
    %swap3A_340 = arith.constant 240 : index
    %swap3A_341 = tpu.vector_load %arg14[%swap3A_340] {strides = array<i32>} : memref<272xf32, #tpu.memory_space<vmem>>, vector<16xf32>,
    tpu.vector_store %arg14[%swap3A_340], %broadcast_in_dim3A_20 {strides = array<i32>} : memref<272xf32, #tpu.memory_space<vmem>>, vector<16xf32>,
    %swap3A_342 = arith.constant 256 : index
    %swap3A_343 = tpu.vector_load %arg14[%swap3A_342] {strides = array<i32>} : memref<272xf32, #tpu.memory_space<vmem>>, vector<16xf32>,
    tpu.vector_store %arg14[%swap3A_342], %broadcast_in_dim3A_20 {strides = array<i32>} : memref<272xf32, #tpu.memory_space<vmem>>, vector<16xf32>,
    %scan3A_344 = arith.constant 0 : i32
    %scan3A_345 = arith.constant 0 : i32
    %scan3A_346 = arith.constant 16 : i32
    %scan3A_347 = arith.addi %scan3A_345, %scan3A_346 : i32
    %scan3A_348 = arith.constant 1 : i32
    scf.for %scan3A_355 = %scan3A_345 to %scan3A_347 step %scan3A_348  : i32 {
      %get3A = arith.constant 0 : index
      %get3A_356 = tpu.vector_load %arg14[%get3A] {strides = array<i32>} : memref<272xf32, #tpu.memory_space<vmem>>, vector<16xf32>,
      %mul3A_357 = arith.constant 272 : i32
      %mul3A_358 = arith.muli %scan3A_355, %mul3A_357 : i32
      %add3A_359 = arith.constant 0 : i32
      %add3A_360 = arith.addi %mul3A_358, %add3A_359 : i32
      %get3A_361 = arith.index_cast %add3A_360 : i32 to index
      %get3A_362 = tpu.vector_load %arg13[%get3A_361] {strides = array<i32>} : memref<4352xf32, #tpu.memory_space<vmem>>, vector<16xf32>,
      %add3A_363 = arith.addf %get3A_356, %get3A_362 : vector<16xf32>
      %swap3A_364 = arith.constant 0 : index
      %swap3A_365 = tpu.vector_load %arg14[%swap3A_364] {strides = array<i32>} : memref<272xf32, #tpu.memory_space<vmem>>, vector<16xf32>,
      tpu.vector_store %arg14[%swap3A_364], %add3A_363 {strides = array<i32>} : memref<272xf32, #tpu.memory_space<vmem>>, vector<16xf32>,
      %get3A_366 = arith.constant 16 : index
      %get3A_367 = tpu.vector_load %arg14[%get3A_366] {strides = array<i32>} : memref<272xf32, #tpu.memory_space<vmem>>, vector<16xf32>,
      %mul3A_368 = arith.constant 272 : i32
      %mul3A_369 = arith.muli %scan3A_355, %mul3A_368 : i32
      %add3A_370 = arith.constant 16 : i32
      %add3A_371 = arith.addi %mul3A_369, %add3A_370 : i32
      %get3A_372 = arith.index_cast %add3A_371 : i32 to index
      %get3A_373 = tpu.vector_load %arg13[%get3A_372] {strides = array<i32>} : memref<4352xf32, #tpu.memory_space<vmem>>, vector<16xf32>,
      %add3A_374 = arith.addf %get3A_367, %get3A_373 : vector<16xf32>
      %swap3A_375 = arith.constant 16 : index
      %swap3A_376 = tpu.vector_load %arg14[%swap3A_375] {strides = array<i32>} : memref<272xf32, #tpu.memory_space<vmem>>, vector<16xf32>,
      tpu.vector_store %arg14[%swap3A_375], %add3A_374 {strides = array<i32>} : memref<272xf32, #tpu.memory_space<vmem>>, vector<16xf32>,
      %get3A_377 = arith.constant 32 : index
      %get3A_378 = tpu.vector_load %arg14[%get3A_377] {strides = array<i32>} : memref<272xf32, #tpu.memory_space<vmem>>, vector<16xf32>,
      %mul3A_379 = arith.constant 272 : i32
      %mul3A_380 = arith.muli %scan3A_355, %mul3A_379 : i32
      %add3A_381 = arith.constant 32 : i32
      %add3A_382 = arith.addi %mul3A_380, %add3A_381 : i32
      %get3A_383 = arith.index_cast %add3A_382 : i32 to index
      %get3A_384 = tpu.vector_load %arg13[%get3A_383] {strides = array<i32>} : memref<4352xf32, #tpu.memory_space<vmem>>, vector<16xf32>,
      %add3A_385 = arith.addf %get3A_378, %get3A_384 : vector<16xf32>
      %swap3A_386 = arith.constant 32 : index
      %swap3A_387 = tpu.vector_load %arg14[%swap3A_386] {strides = array<i32>} : memref<272xf32, #tpu.memory_space<vmem>>, vector<16xf32>,
      tpu.vector_store %arg14[%swap3A_386], %add3A_385 {strides = array<i32>} : memref<272xf32, #tpu.memory_space<vmem>>, vector<16xf32>,
      %get3A_388 = arith.constant 48 : index
      %get3A_389 = tpu.vector_load %arg14[%get3A_388] {strides = array<i32>} : memref<272xf32, #tpu.memory_space<vmem>>, vector<16xf32>,
      %mul3A_390 = arith.constant 272 : i32
      %mul3A_391 = arith.muli %scan3A_355, %mul3A_390 : i32
      %add3A_392 = arith.constant 48 : i32
      %add3A_393 = arith.addi %mul3A_391, %add3A_392 : i32
      %get3A_394 = arith.index_cast %add3A_393 : i32 to index
      %get3A_395 = tpu.vector_load %arg13[%get3A_394] {strides = array<i32>} : memref<4352xf32, #tpu.memory_space<vmem>>, vector<16xf32>,
      %add3A_396 = arith.addf %get3A_389, %get3A_395 : vector<16xf32>
      %swap3A_397 = arith.constant 48 : index
      %swap3A_398 = tpu.vector_load %arg14[%swap3A_397] {strides = array<i32>} : memref<272xf32, #tpu.memory_space<vmem>>, vector<16xf32>,
      tpu.vector_store %arg14[%swap3A_397], %add3A_396 {strides = array<i32>} : memref<272xf32, #tpu.memory_space<vmem>>, vector<16xf32>,
      %get3A_399 = arith.constant 64 : index
      %get3A_400 = tpu.vector_load %arg14[%get3A_399] {strides = array<i32>} : memref<272xf32, #tpu.memory_space<vmem>>, vector<16xf32>,
      %mul3A_401 = arith.constant 272 : i32
      %mul3A_402 = arith.muli %scan3A_355, %mul3A_401 : i32
      %add3A_403 = arith.constant 64 : i32
      %add3A_404 = arith.addi %mul3A_402, %add3A_403 : i32
      %get3A_405 = arith.index_cast %add3A_404 : i32 to index
      %get3A_406 = tpu.vector_load %arg13[%get3A_405] {strides = array<i32>} : memref<4352xf32, #tpu.memory_space<vmem>>, vector<16xf32>,
      %add3A_407 = arith.addf %get3A_400, %get3A_406 : vector<16xf32>
      %swap3A_408 = arith.constant 64 : index
      %swap3A_409 = tpu.vector_load %arg14[%swap3A_408] {strides = array<i32>} : memref<272xf32, #tpu.memory_space<vmem>>, vector<16xf32>,
      tpu.vector_store %arg14[%swap3A_408], %add3A_407 {strides = array<i32>} : memref<272xf32, #tpu.memory_space<vmem>>, vector<16xf32>,
      %get3A_410 = arith.constant 80 : index
      %get3A_411 = tpu.vector_load %arg14[%get3A_410] {strides = array<i32>} : memref<272xf32, #tpu.memory_space<vmem>>, vector<16xf32>,
      %mul3A_412 = arith.constant 272 : i32
      %mul3A_413 = arith.muli %scan3A_355, %mul3A_412 : i32
      %add3A_414 = arith.constant 80 : i32
      %add3A_415 = arith.addi %mul3A_413, %add3A_414 : i32
      %get3A_416 = arith.index_cast %add3A_415 : i32 to index
      %get3A_417 = tpu.vector_load %arg13[%get3A_416] {strides = array<i32>} : memref<4352xf32, #tpu.memory_space<vmem>>, vector<16xf32>,
      %add3A_418 = arith.addf %get3A_411, %get3A_417 : vector<16xf32>
      %swap3A_419 = arith.constant 80 : index
      %swap3A_420 = tpu.vector_load %arg14[%swap3A_419] {strides = array<i32>} : memref<272xf32, #tpu.memory_space<vmem>>, vector<16xf32>,
      tpu.vector_store %arg14[%swap3A_419], %add3A_418 {strides = array<i32>} : memref<272xf32, #tpu.memory_space<vmem>>, vector<16xf32>,
      %get3A_421 = arith.constant 96 : index
      %get3A_422 = tpu.vector_load %arg14[%get3A_421] {strides = array<i32>} : memref<272xf32, #tpu.memory_space<vmem>>, vector<16xf32>,
      %mul3A_423 = arith.constant 272 : i32
      %mul3A_424 = arith.muli %scan3A_355, %mul3A_423 : i32
      %add3A_425 = arith.constant 96 : i32
      %add3A_426 = arith.addi %mul3A_424, %add3A_425 : i32
      %get3A_427 = arith.index_cast %add3A_426 : i32 to index
      %get3A_428 = tpu.vector_load %arg13[%get3A_427] {strides = array<i32>} : memref<4352xf32, #tpu.memory_space<vmem>>, vector<16xf32>,
      %add3A_429 = arith.addf %get3A_422, %get3A_428 : vector<16xf32>
      %swap3A_430 = arith.constant 96 : index
      %swap3A_431 = tpu.vector_load %arg14[%swap3A_430] {strides = array<i32>} : memref<272xf32, #tpu.memory_space<vmem>>, vector<16xf32>,
      tpu.vector_store %arg14[%swap3A_430], %add3A_429 {strides = array<i32>} : memref<272xf32, #tpu.memory_space<vmem>>, vector<16xf32>,
      %get3A_432 = arith.constant 112 : index
      %get3A_433 = tpu.vector_load %arg14[%get3A_432] {strides = array<i32>} : memref<272xf32, #tpu.memory_space<vmem>>, vector<16xf32>,
      %mul3A_434 = arith.constant 272 : i32
      %mul3A_435 = arith.muli %scan3A_355, %mul3A_434 : i32
      %add3A_436 = arith.constant 112 : i32
      %add3A_437 = arith.addi %mul3A_435, %add3A_436 : i32
      %get3A_438 = arith.index_cast %add3A_437 : i32 to index
      %get3A_439 = tpu.vector_load %arg13[%get3A_438] {strides = array<i32>} : memref<4352xf32, #tpu.memory_space<vmem>>, vector<16xf32>,
      %add3A_440 = arith.addf %get3A_433, %get3A_439 : vector<16xf32>
      %swap3A_441 = arith.constant 112 : index
      %swap3A_442 = tpu.vector_load %arg14[%swap3A_441] {strides = array<i32>} : memref<272xf32, #tpu.memory_space<vmem>>, vector<16xf32>,
      tpu.vector_store %arg14[%swap3A_441], %add3A_440 {strides = array<i32>} : memref<272xf32, #tpu.memory_space<vmem>>, vector<16xf32>,
      %get3A_443 = arith.constant 128 : index
      %get3A_444 = tpu.vector_load %arg14[%get3A_443] {strides = array<i32>} : memref<272xf32, #tpu.memory_space<vmem>>, vector<16xf32>,
      %mul3A_445 = arith.constant 272 : i32
      %mul3A_446 = arith.muli %scan3A_355, %mul3A_445 : i32
      %add3A_447 = arith.constant 128 : i32
      %add3A_448 = arith.addi %mul3A_446, %add3A_447 : i32
      %get3A_449 = arith.index_cast %add3A_448 : i32 to index
      %get3A_450 = tpu.vector_load %arg13[%get3A_449] {strides = array<i32>} : memref<4352xf32, #tpu.memory_space<vmem>>, vector<16xf32>,
      %add3A_451 = arith.addf %get3A_444, %get3A_450 : vector<16xf32>
      %swap3A_452 = arith.constant 128 : index
      %swap3A_453 = tpu.vector_load %arg14[%swap3A_452] {strides = array<i32>} : memref<272xf32, #tpu.memory_space<vmem>>, vector<16xf32>,
      tpu.vector_store %arg14[%swap3A_452], %add3A_451 {strides = array<i32>} : memref<272xf32, #tpu.memory_space<vmem>>, vector<16xf32>,
      %get3A_454 = arith.constant 144 : index
      %get3A_455 = tpu.vector_load %arg14[%get3A_454] {strides = array<i32>} : memref<272xf32, #tpu.memory_space<vmem>>, vector<16xf32>,
      %mul3A_456 = arith.constant 272 : i32
      %mul3A_457 = arith.muli %scan3A_355, %mul3A_456 : i32
      %add3A_458 = arith.constant 144 : i32
      %add3A_459 = arith.addi %mul3A_457, %add3A_458 : i32
      %get3A_460 = arith.index_cast %add3A_459 : i32 to index
      %get3A_461 = tpu.vector_load %arg13[%get3A_460] {strides = array<i32>} : memref<4352xf32, #tpu.memory_space<vmem>>, vector<16xf32>,
      %add3A_462 = arith.addf %get3A_455, %get3A_461 : vector<16xf32>
      %swap3A_463 = arith.constant 144 : index
      %swap3A_464 = tpu.vector_load %arg14[%swap3A_463] {strides = array<i32>} : memref<272xf32, #tpu.memory_space<vmem>>, vector<16xf32>,
      tpu.vector_store %arg14[%swap3A_463], %add3A_462 {strides = array<i32>} : memref<272xf32, #tpu.memory_space<vmem>>, vector<16xf32>,
      %get3A_465 = arith.constant 160 : index
      %get3A_466 = tpu.vector_load %arg14[%get3A_465] {strides = array<i32>} : memref<272xf32, #tpu.memory_space<vmem>>, vector<16xf32>,
      %mul3A_467 = arith.constant 272 : i32
      %mul3A_468 = arith.muli %scan3A_355, %mul3A_467 : i32
      %add3A_469 = arith.constant 160 : i32
      %add3A_470 = arith.addi %mul3A_468, %add3A_469 : i32
      %get3A_471 = arith.index_cast %add3A_470 : i32 to index
      %get3A_472 = tpu.vector_load %arg13[%get3A_471] {strides = array<i32>} : memref<4352xf32, #tpu.memory_space<vmem>>, vector<16xf32>,
      %add3A_473 = arith.addf %get3A_466, %get3A_472 : vector<16xf32>
      %swap3A_474 = arith.constant 160 : index
      %swap3A_475 = tpu.vector_load %arg14[%swap3A_474] {strides = array<i32>} : memref<272xf32, #tpu.memory_space<vmem>>, vector<16xf32>,
      tpu.vector_store %arg14[%swap3A_474], %add3A_473 {strides = array<i32>} : memref<272xf32, #tpu.memory_space<vmem>>, vector<16xf32>,
      %get3A_476 = arith.constant 176 : index
      %get3A_477 = tpu.vector_load %arg14[%get3A_476] {strides = array<i32>} : memref<272xf32, #tpu.memory_space<vmem>>, vector<16xf32>,
      %mul3A_478 = arith.constant 272 : i32
      %mul3A_479 = arith.muli %scan3A_355, %mul3A_478 : i32
      %add3A_480 = arith.constant 176 : i32
      %add3A_481 = arith.addi %mul3A_479, %add3A_480 : i32
      %get3A_482 = arith.index_cast %add3A_481 : i32 to index
      %get3A_483 = tpu.vector_load %arg13[%get3A_482] {strides = array<i32>} : memref<4352xf32, #tpu.memory_space<vmem>>, vector<16xf32>,
      %add3A_484 = arith.addf %get3A_477, %get3A_483 : vector<16xf32>
      %swap3A_485 = arith.constant 176 : index
      %swap3A_486 = tpu.vector_load %arg14[%swap3A_485] {strides = array<i32>} : memref<272xf32, #tpu.memory_space<vmem>>, vector<16xf32>,
      tpu.vector_store %arg14[%swap3A_485], %add3A_484 {strides = array<i32>} : memref<272xf32, #tpu.memory_space<vmem>>, vector<16xf32>,
      %get3A_487 = arith.constant 192 : index
      %get3A_488 = tpu.vector_load %arg14[%get3A_487] {strides = array<i32>} : memref<272xf32, #tpu.memory_space<vmem>>, vector<16xf32>,
      %mul3A_489 = arith.constant 272 : i32
      %mul3A_490 = arith.muli %scan3A_355, %mul3A_489 : i32
      %add3A_491 = arith.constant 192 : i32
      %add3A_492 = arith.addi %mul3A_490, %add3A_491 : i32
      %get3A_493 = arith.index_cast %add3A_492 : i32 to index
      %get3A_494 = tpu.vector_load %arg13[%get3A_493] {strides = array<i32>} : memref<4352xf32, #tpu.memory_space<vmem>>, vector<16xf32>,
      %add3A_495 = arith.addf %get3A_488, %get3A_494 : vector<16xf32>
      %swap3A_496 = arith.constant 192 : index
      %swap3A_497 = tpu.vector_load %arg14[%swap3A_496] {strides = array<i32>} : memref<272xf32, #tpu.memory_space<vmem>>, vector<16xf32>,
      tpu.vector_store %arg14[%swap3A_496], %add3A_495 {strides = array<i32>} : memref<272xf32, #tpu.memory_space<vmem>>, vector<16xf32>,
      %get3A_498 = arith.constant 208 : index
      %get3A_499 = tpu.vector_load %arg14[%get3A_498] {strides = array<i32>} : memref<272xf32, #tpu.memory_space<vmem>>, vector<16xf32>,
      %mul3A_500 = arith.constant 272 : i32
      %mul3A_501 = arith.muli %scan3A_355, %mul3A_500 : i32
      %add3A_502 = arith.constant 208 : i32
      %add3A_503 = arith.addi %mul3A_501, %add3A_502 : i32
      %get3A_504 = arith.index_cast %add3A_503 : i32 to index
      %get3A_505 = tpu.vector_load %arg13[%get3A_504] {strides = array<i32>} : memref<4352xf32, #tpu.memory_space<vmem>>, vector<16xf32>,
      %add3A_506 = arith.addf %get3A_499, %get3A_505 : vector<16xf32>
      %swap3A_507 = arith.constant 208 : index
      %swap3A_508 = tpu.vector_load %arg14[%swap3A_507] {strides = array<i32>} : memref<272xf32, #tpu.memory_space<vmem>>, vector<16xf32>,
      tpu.vector_store %arg14[%swap3A_507], %add3A_506 {strides = array<i32>} : memref<272xf32, #tpu.memory_space<vmem>>, vector<16xf32>,
      %get3A_509 = arith.constant 224 : index
      %get3A_510 = tpu.vector_load %arg14[%get3A_509] {strides = array<i32>} : memref<272xf32, #tpu.memory_space<vmem>>, vector<16xf32>,
      %mul3A_511 = arith.constant 272 : i32
      %mul3A_512 = arith.muli %scan3A_355, %mul3A_511 : i32
      %add3A_513 = arith.constant 224 : i32
      %add3A_514 = arith.addi %mul3A_512, %add3A_513 : i32
      %get3A_515 = arith.index_cast %add3A_514 : i32 to index
      %get3A_516 = tpu.vector_load %arg13[%get3A_515] {strides = array<i32>} : memref<4352xf32, #tpu.memory_space<vmem>>, vector<16xf32>,
      %add3A_517 = arith.addf %get3A_510, %get3A_516 : vector<16xf32>
      %swap3A_518 = arith.constant 224 : index
      %swap3A_519 = tpu.vector_load %arg14[%swap3A_518] {strides = array<i32>} : memref<272xf32, #tpu.memory_space<vmem>>, vector<16xf32>,
      tpu.vector_store %arg14[%swap3A_518], %add3A_517 {strides = array<i32>} : memref<272xf32, #tpu.memory_space<vmem>>, vector<16xf32>,
      %get3A_520 = arith.constant 240 : index
      %get3A_521 = tpu.vector_load %arg14[%get3A_520] {strides = array<i32>} : memref<272xf32, #tpu.memory_space<vmem>>, vector<16xf32>,
      %mul3A_522 = arith.constant 272 : i32
      %mul3A_523 = arith.muli %scan3A_355, %mul3A_522 : i32
      %add3A_524 = arith.constant 240 : i32
      %add3A_525 = arith.addi %mul3A_523, %add3A_524 : i32
      %get3A_526 = arith.index_cast %add3A_525 : i32 to index
      %get3A_527 = tpu.vector_load %arg13[%get3A_526] {strides = array<i32>} : memref<4352xf32, #tpu.memory_space<vmem>>, vector<16xf32>,
      %add3A_528 = arith.addf %get3A_521, %get3A_527 : vector<16xf32>
      %swap3A_529 = arith.constant 240 : index
      %swap3A_530 = tpu.vector_load %arg14[%swap3A_529] {strides = array<i32>} : memref<272xf32, #tpu.memory_space<vmem>>, vector<16xf32>,
      tpu.vector_store %arg14[%swap3A_529], %add3A_528 {strides = array<i32>} : memref<272xf32, #tpu.memory_space<vmem>>, vector<16xf32>,
      %get3A_531 = arith.constant 256 : index
      %get3A_532 = tpu.vector_load %arg14[%get3A_531] {strides = array<i32>} : memref<272xf32, #tpu.memory_space<vmem>>, vector<16xf32>,
      %mul3A_533 = arith.constant 272 : i32
      %mul3A_534 = arith.muli %scan3A_355, %mul3A_533 : i32
      %add3A_535 = arith.constant 256 : i32
      %add3A_536 = arith.addi %mul3A_534, %add3A_535 : i32
      %get3A_537 = arith.index_cast %add3A_536 : i32 to index
      %get3A_538 = tpu.vector_load %arg13[%get3A_537] {strides = array<i32>} : memref<4352xf32, #tpu.memory_space<vmem>>, vector<16xf32>,
      %add3A_539 = arith.addf %get3A_532, %get3A_538 : vector<16xf32>
      %swap3A_540 = arith.constant 256 : index
      %swap3A_541 = tpu.vector_load %arg14[%swap3A_540] {strides = array<i32>} : memref<272xf32, #tpu.memory_space<vmem>>, vector<16xf32>,
      tpu.vector_store %arg14[%swap3A_540], %add3A_539 {strides = array<i32>} : memref<272xf32, #tpu.memory_space<vmem>>, vector<16xf32>,
    }
    %scan3A_349 = arith.constant 16 : i32
    %mul3A_350 = arith.constant 4352 : i32
    %mul3A_351 = arith.muli %arg0, %mul3A_350 : i32
    %mul3A_352 = arith.constant 272 : i32
    %mul3A_353 = arith.muli %arg1, %mul3A_352 : i32
    %add3A_354 = arith.addi %mul3A_351, %mul3A_353 : i32
    "tpu.region"() ({
      %run_scoped3A = tpu.sem_alloc : memref<!tpu.dma_semaphore, #tpu.memory_space<semaphore_mem>>
      %dma_start3A_355 = tpu.memref_slice %arg4[%add3A_354] : memref<8704xf32, #tpu.memory_space<hbm>> -> memref<272xf32, #tpu.memory_space<hbm>>
      %dma_start3A_356 = tpu.memref_slice %arg4[%add3A_354] : memref<8704xf32, #tpu.memory_space<hbm>> -> memref<272xf32, #tpu.memory_space<hbm>>
      tpu.enqueue_dma source(%arg14 : memref<272xf32, #tpu.memory_space<vmem>>) target(%dma_start3A_356 : memref<272xf32, #tpu.memory_space<hbm>>) target_semaphore(%run_scoped3A : memref<!tpu.dma_semaphore, #tpu.memory_space<semaphore_mem>>)
      %dma_wait3A_357 = tpu.memref_slice %arg4[%add3A_354] : memref<8704xf32, #tpu.memory_space<hbm>> -> memref<272xf32, #tpu.memory_space<hbm>>
      %dma_wait3A_358 = tpu.memref_slice %arg4[%add3A_354] : memref<8704xf32, #tpu.memory_space<hbm>> -> memref<272xf32, #tpu.memory_space<hbm>>
      tpu.wait_dma2 semaphore(%run_scoped3A : memref<!tpu.dma_semaphore, #tpu.memory_space<semaphore_mem>>) src(%arg14 : memref<272xf32, #tpu.memory_space<vmem>>) dst(%dma_wait3A_358 : memref<272xf32, #tpu.memory_space<hbm>>)
      tpu.yield
    }) : () -> ()
    return
  }
}

module attributes {stable_mosaic.version = 14 : i64} {
  func.func @_tc_direct_body(%arg0: memref<1024x64xf32, #tpu.memory_space<vmem>>, %arg1: memref<1024x1xi32, #tpu.memory_space<vmem>>, %arg2: memref<1x320xi32, #tpu.memory_space<vmem>>, %arg3: memref<1x1xf32, #tpu.memory_space<vmem>>, %arg4: memref<1x1xf32, #tpu.memory_space<vmem>>) attributes {dimension_semantics = [], scalar_prefetch = 0 : i64, scratch_operands = 0 : i64, tpu.core_type = #tpu.core_type<tc>} {
    %get3A = arith.constant 0 : index
    %get3A_0 = arith.constant 0 : index
    %get3A_1 = vector.load %arg0[%get3A, %get3A_0] : memref<1024x64xf32, #tpu.memory_space<vmem>>, vector<1024x64xf32>
    %reduce_max3A = arith.constant dense<0xFF800000> : vector<1024xf32>
    %reduce_max3A_2 = vector.multi_reduction <maximumf>, %get3A_1, %reduce_max3A [1] : vector<1024x64xf32> to vector<1024xf32>
    %broadcast_in_dim3A = vector.shape_cast %reduce_max3A_2 : vector<1024xf32> to vector<1024x1xf32>
    %sub3A = vector.broadcast %broadcast_in_dim3A : vector<1024x1xf32> to vector<1024x64xf32>
    %sub3A_3 = arith.subf %get3A_1, %sub3A : vector<1024x64xf32>
    %exp3A = math.exp %sub3A_3 : vector<1024x64xf32>
    %reduce_sum3A = arith.constant dense<0.000000e+00> : vector<1024xf32>
    %reduce_sum3A_4 = vector.multi_reduction <add>, %exp3A, %reduce_sum3A [1] : vector<1024x64xf32> to vector<1024xf32>
    %broadcast_in_dim3A_5 = vector.shape_cast %reduce_sum3A_4 : vector<1024xf32> to vector<1024x1xf32>
    %log3A = math.log %broadcast_in_dim3A_5 : vector<1024x1xf32>
    %add3A = arith.addf %log3A, %broadcast_in_dim3A : vector<1024x1xf32>
    %iota3A = tpu.iota {dimensions = array<i32: 1>} : vector<1024x64xi32>
    %get3A_6 = arith.constant 0 : index
    %get3A_7 = arith.constant 0 : index
    %get3A_8 = vector.load %arg1[%get3A_6, %get3A_7] : memref<1024x1xi32, #tpu.memory_space<vmem>>, vector<1024x1xi32>
    %eq3A = vector.broadcast %get3A_8 : vector<1024x1xi32> to vector<1024x64xi32>
    %eq3A_9 = arith.cmpi eq, %iota3A, %eq3A : vector<1024x64xi32>
    %sub3A_10 = vector.broadcast %add3A : vector<1024x1xf32> to vector<1024x64xf32>
    %sub3A_11 = arith.subf %get3A_1, %sub3A_10 : vector<1024x64xf32>
    %jit3A = arith.constant 0.000000e+00 : f32
    %broadcast_in_dim3A_12 = vector.broadcast %jit3A : f32 to vector<1024x64xf32>
    %select_n3A = arith.select %eq3A_9, %sub3A_11, %broadcast_in_dim3A_12 : vector<1024x64xi1>, vector<1024x64xf32>
    %reduce_sum3A_13 = vector.shape_cast %select_n3A : vector<1024x64xf32> to vector<1x1024x64xf32>
    %reduce_sum3A_14 = arith.constant dense<0.000000e+00> : vector<1xf32>
    %reduce_sum3A_15 = vector.multi_reduction <add>, %reduce_sum3A_13, %reduce_sum3A_14 [1, 2] : vector<1x1024x64xf32> to vector<1xf32>
    %reduce_sum3A_16 = vector.shape_cast %reduce_sum3A_15 : vector<1xf32> to vector<1x1x1xf32>
    %reduce_sum3A_17 = vector.extract %reduce_sum3A_16[0, 0, 0] : f32 from vector<1x1x1xf32>
    %neg3A = arith.constant 0.000000e+00 : f32
    %neg3A_18 = arith.subf %neg3A, %reduce_sum3A_17 : f32
    %div3A = arith.constant 1.024000e+03 : f32
    %div3A_19 = arith.divf %neg3A_18, %div3A : f32
    %broadcast_in_dim3A_20 = vector.broadcast %div3A_19 : f32 to vector<1x1xf32>
    %swap3A = arith.constant 0 : index
    %swap3A_21 = arith.constant 0 : index
    %swap3A_22 = vector.load %arg3[%swap3A, %swap3A_21] : memref<1x1xf32, #tpu.memory_space<vmem>>, vector<1x1xf32>
    tpu.vector_store %arg3[%swap3A, %swap3A_21], %broadcast_in_dim3A_20 {strides = array<i32>} : memref<1x1xf32, #tpu.memory_space<vmem>>, vector<1x1xf32>,
    %convert_element_type3A = arith.extui %eq3A_9 : vector<1024x64xi1> to vector<1024x64xi32>
    %convert_element_type3A_23 = arith.sitofp %convert_element_type3A : vector<1024x64xi32> to vector<1024x64xf32>
    %reduce_sum3A_24 = arith.constant dense<0.000000e+00> : vector<64xf32>
    %reduce_sum3A_25 = vector.multi_reduction <add>, %convert_element_type3A_23, %reduce_sum3A_24 [0] : vector<1024x64xf32> to vector<64xf32>
    %broadcast_in_dim3A_26 = vector.shape_cast %reduce_sum3A_25 : vector<64xf32> to vector<1x64xf32>
    %iota3A_27 = tpu.iota {dimensions = array<i32: 0>} : vector<64x320xi32>
    %get3A_28 = arith.constant 0 : index
    %get3A_29 = arith.constant 0 : index
    %get3A_30 = vector.load %arg2[%get3A_28, %get3A_29] : memref<1x320xi32, #tpu.memory_space<vmem>>, vector<1x320xi32>
    %eq3A_31 = vector.broadcast %get3A_30 : vector<1x320xi32> to vector<64x320xi32>
    %eq3A_32 = arith.cmpi eq, %iota3A_27, %eq3A_31 : vector<64x320xi32>
    %convert_element_type3A_33 = arith.extui %eq3A_32 : vector<64x320xi1> to vector<64x320xi32>
    %convert_element_type3A_34 = arith.sitofp %convert_element_type3A_33 : vector<64x320xi32> to vector<64x320xf32>
    %reduce_sum3A_35 = arith.constant dense<0.000000e+00> : vector<64xf32>
    %reduce_sum3A_36 = vector.multi_reduction <add>, %convert_element_type3A_34, %reduce_sum3A_35 [1] : vector<64x320xf32> to vector<64xf32>
    %broadcast_in_dim3A_37 = vector.shape_cast %reduce_sum3A_36 : vector<64xf32> to vector<64x1xf32>
    %dot_general3A = arith.constant dense<0.000000e+00> : vector<1x1xf32>
    %dot_general3A_38 = tpu.matmul %broadcast_in_dim3A_26, %broadcast_in_dim3A_37, %dot_general3A {dimension_numbers = #tpu.dot_dimension_numbers<[1], [0], [0], [1], [0, 0, 1, 1], [], []>, precision = #tpu.contract_precision<fp32>, transpose_lhs_hint = false} : vector<1x64xf32>, vector<64x1xf32>, vector<1x1xf32> -> vector<1x1xf32>
    %swap3A_39 = arith.constant 0 : index
    %swap3A_40 = arith.constant 0 : index
    %swap3A_41 = vector.load %arg4[%swap3A_39, %swap3A_40] : memref<1x1xf32, #tpu.memory_space<vmem>>, vector<1x1xf32>
    tpu.vector_store %arg4[%swap3A_39, %swap3A_40], %dot_general3A_38 {strides = array<i32>} : memref<1x1xf32, #tpu.memory_space<vmem>>, vector<1x1xf32>,
    return
  }
}

module attributes {stable_mosaic.version = 14 : i64} {
  func.func @_tc_histo_body(%arg0: memref<1x1xf32, #tpu.memory_space<vmem>>, %arg1: memref<8704xf32, #tpu.memory_space<vmem>>, %arg2: memref<1x1xf32, #tpu.memory_space<vmem>>) attributes {dimension_semantics = [], scalar_prefetch = 0 : i64, scratch_operands = 0 : i64, tpu.core_type = #tpu.core_type<tc>} {
    %get3A = arith.constant 0 : index
    %get3A_0 = arith.constant 0 : index
    %get3A_1 = vector.load %arg0[%get3A, %get3A_0] : memref<1x1xf32, #tpu.memory_space<vmem>>, vector<1x1xf32>
    %squeeze3A = vector.extract %get3A_1[0, 0] : f32 from vector<1x1xf32>
    %sub3A = arith.constant 3.276800e+05 : f32
    %sub3A_2 = arith.subf %sub3A, %squeeze3A : f32
    %get3A_3 = arith.constant 0 : index
    %get3A_4 = vector.load %arg1[%get3A_3] : memref<8704xf32, #tpu.memory_space<vmem>>, vector<8704xf32>
    %reshape3A = vector.shape_cast %get3A_4 : vector<8704xf32> to vector<68x128xf32>
    %slice3A = vector.extract_strided_slice %reshape3A {offsets = [0, 0], sizes = [34, 128], strides = [1, 1]} : vector<68x128xf32> to vector<34x128xf32>
    %slice3A_5 = vector.extract_strided_slice %reshape3A {offsets = [34, 0], sizes = [34, 128], strides = [1, 1]} : vector<68x128xf32> to vector<34x128xf32>
    %add3A = arith.addf %slice3A, %slice3A_5 : vector<34x128xf32>
    %iota3A = tpu.iota {dimensions = array<i32: 0>} : vector<128x8xi32>
    %iota3A_6 = tpu.iota {dimensions = array<i32: 1>} : vector<128x8xi32>
    %jit3A = arith.constant 16 : i32
    %div3A = vector.broadcast %jit3A : i32 to vector<128x8xi32>
    %div3A_7 = arith.divsi %iota3A, %div3A : vector<128x8xi32>
    %sign3A = arith.constant 0 : i32
    %sign3A_8 = vector.broadcast %sign3A : i32 to vector<128x8xi32>
    %sign3A_9 = arith.cmpi sgt, %iota3A, %sign3A_8 : vector<128x8xi32>
    %sign3A_10 = arith.extui %sign3A_9 : vector<128x8xi1> to vector<128x8xi32>
    %sign3A_11 = arith.constant 0 : i32
    %sign3A_12 = vector.broadcast %sign3A_11 : i32 to vector<128x8xi32>
    %sign3A_13 = arith.cmpi slt, %iota3A, %sign3A_12 : vector<128x8xi32>
    %sign3A_14 = arith.extui %sign3A_13 : vector<128x8xi1> to vector<128x8xi32>
    %sign3A_15 = arith.subi %sign3A_10, %sign3A_14 : vector<128x8xi32>
    %sign3A_16 = arith.constant 0 : i32
    %sign3A_17 = arith.cmpi sgt, %jit3A, %sign3A_16 : i32
    %sign3A_18 = arith.extui %sign3A_17 : i1 to i32
    %sign3A_19 = arith.constant 0 : i32
    %sign3A_20 = arith.cmpi slt, %jit3A, %sign3A_19 : i32
    %sign3A_21 = arith.extui %sign3A_20 : i1 to i32
    %sign3A_22 = arith.subi %sign3A_18, %sign3A_21 : i32
    %ne3A = vector.broadcast %sign3A_22 : i32 to vector<128x8xi32>
    %ne3A_23 = arith.cmpi ne, %sign3A_15, %ne3A : vector<128x8xi32>
    %rem3A = vector.broadcast %jit3A : i32 to vector<128x8xi32>
    %rem3A_24 = arith.remsi %iota3A, %rem3A : vector<128x8xi32>
    %ne3A_25 = arith.constant 0 : i32
    %ne3A_26 = vector.broadcast %ne3A_25 : i32 to vector<128x8xi32>
    %ne3A_27 = arith.cmpi ne, %rem3A_24, %ne3A_26 : vector<128x8xi32>
    %and3A = arith.andi %ne3A_23, %ne3A_27 : vector<128x8xi1>
    %sub3A_28 = arith.constant 1 : i32
    %sub3A_29 = vector.broadcast %sub3A_28 : i32 to vector<128x8xi32>
    %sub3A_30 = arith.subi %div3A_7, %sub3A_29 : vector<128x8xi32>
    %select_n3A = arith.select %and3A, %sub3A_30, %div3A_7 : vector<128x8xi1>, vector<128x8xi32>
    %eq3A = arith.cmpi eq, %select_n3A, %iota3A_6 : vector<128x8xi32>
    %convert_element_type3A = arith.extui %eq3A : vector<128x8xi1> to vector<128x8xi32>
    %convert_element_type3A_31 = arith.sitofp %convert_element_type3A : vector<128x8xi32> to vector<128x8xf32>
    %dot_general3A = arith.constant dense<0.000000e+00> : vector<34x8xf32>
    %dot_general3A_32 = tpu.matmul %add3A, %convert_element_type3A_31, %dot_general3A {dimension_numbers = #tpu.dot_dimension_numbers<[1], [0], [0], [1], [0, 0, 1, 1], [], []>, precision = #tpu.contract_precision<fp32>, transpose_lhs_hint = false} : vector<34x128xf32>, vector<128x8xf32>, vector<34x8xf32> -> vector<34x8xf32>
    %iota3A_33 = tpu.iota {dimensions = array<i32: 0>} : vector<34x1xi32>
    %lt3A = arith.constant 17 : i32
    %lt3A_34 = vector.broadcast %lt3A : i32 to vector<34x1xi32>
    %lt3A_35 = arith.cmpi slt, %iota3A_33, %lt3A_34 : vector<34x1xi32>
    %div3A_36 = arith.constant 1.000000e+00 : f32
    %div3A_37 = arith.divf %div3A_36, %squeeze3A : f32
    %div3A_38 = arith.constant 1.000000e+00 : f32
    %div3A_39 = arith.divf %div3A_38, %sub3A_2 : f32
    %broadcast_in_dim3A = vector.broadcast %div3A_37 : f32 to vector<34x1xf32>
    %broadcast_in_dim3A_40 = vector.broadcast %div3A_39 : f32 to vector<34x1xf32>
    %select_n3A_41 = arith.select %lt3A_35, %broadcast_in_dim3A, %broadcast_in_dim3A_40 : vector<34x1xi1>, vector<34x1xf32>
    %mul3A = vector.broadcast %select_n3A_41 : vector<34x1xf32> to vector<34x8xf32>
    %mul3A_42 = arith.mulf %dot_general3A_32, %mul3A : vector<34x8xf32>
    %iota3A_43 = tpu.iota {dimensions = array<i32: 0>} : vector<34x34xi32>
    %iota3A_44 = tpu.iota {dimensions = array<i32: 1>} : vector<34x34xi32>
    %sub3A_45 = arith.constant 17 : i32
    %sub3A_46 = vector.broadcast %sub3A_45 : i32 to vector<34x34xi32>
    %sub3A_47 = arith.subi %iota3A_44, %sub3A_46 : vector<34x34xi32>
    %lt3A_48 = arith.cmpi slt, %iota3A_43, %sub3A_47 : vector<34x34xi32>
    %convert_element_type3A_49 = arith.extui %lt3A_48 : vector<34x34xi1> to vector<34x34xi32>
    %convert_element_type3A_50 = arith.sitofp %convert_element_type3A_49 : vector<34x34xi32> to vector<34x34xf32>
    %sub3A_51 = arith.constant 17 : i32
    %sub3A_52 = vector.broadcast %sub3A_51 : i32 to vector<34x34xi32>
    %sub3A_53 = arith.subi %iota3A_44, %sub3A_52 : vector<34x34xi32>
    %eq3A_54 = arith.cmpi eq, %iota3A_43, %sub3A_53 : vector<34x34xi32>
    %convert_element_type3A_55 = arith.extui %eq3A_54 : vector<34x34xi1> to vector<34x34xi32>
    %convert_element_type3A_56 = arith.sitofp %convert_element_type3A_55 : vector<34x34xi32> to vector<34x34xf32>
    %iota3A_57 = tpu.iota {dimensions = array<i32: 0>} : vector<8x8xi32>
    %iota3A_58 = tpu.iota {dimensions = array<i32: 1>} : vector<8x8xi32>
    %le3A = arith.cmpi sle, %iota3A_57, %iota3A_58 : vector<8x8xi32>
    %convert_element_type3A_59 = arith.extui %le3A : vector<8x8xi1> to vector<8x8xi32>
    %convert_element_type3A_60 = arith.sitofp %convert_element_type3A_59 : vector<8x8xi32> to vector<8x8xf32>
    %reduce_sum3A = arith.constant dense<0.000000e+00> : vector<34xf32>
    %reduce_sum3A_61 = vector.multi_reduction <add>, %mul3A_42, %reduce_sum3A [1] : vector<34x8xf32> to vector<34xf32>
    %broadcast_in_dim3A_62 = vector.shape_cast %reduce_sum3A_61 : vector<34xf32> to vector<34x1xf32>
    %dot_general3A_63 = arith.constant dense<0.000000e+00> : vector<34x34xf32>
    %dot_general3A_64 = tpu.matmul %broadcast_in_dim3A_62, %broadcast_in_dim3A_62, %dot_general3A_63 {dimension_numbers = #tpu.dot_dimension_numbers<[1], [1], [0], [0], [0, 0, 1, 0], [], []>, precision = #tpu.contract_precision<fp32>, transpose_lhs_hint = false} : vector<34x1xf32>, vector<34x1xf32>, vector<34x34xf32> -> vector<34x34xf32>
    %dot_general3A_65 = arith.constant dense<0.000000e+00> : vector<34x8xf32>
    %dot_general3A_66 = tpu.matmul %mul3A_42, %convert_element_type3A_60, %dot_general3A_65 {dimension_numbers = #tpu.dot_dimension_numbers<[1], [0], [0], [1], [0, 0, 1, 1], [], []>, precision = #tpu.contract_precision<fp32>, transpose_lhs_hint = false} : vector<34x8xf32>, vector<8x8xf32>, vector<34x8xf32> -> vector<34x8xf32>
    %dot_general3A_67 = arith.constant dense<0.000000e+00> : vector<34x34xf32>
    %dot_general3A_68 = tpu.matmul %dot_general3A_66, %mul3A_42, %dot_general3A_67 {dimension_numbers = #tpu.dot_dimension_numbers<[1], [1], [0], [0], [0, 0, 1, 0], [], []>, precision = #tpu.contract_precision<fp32>, transpose_lhs_hint = false} : vector<34x8xf32>, vector<34x8xf32>, vector<34x34xf32> -> vector<34x34xf32>
    %mul3A_69 = arith.mulf %convert_element_type3A_50, %dot_general3A_64 : vector<34x34xf32>
    %reduce_sum3A_70 = vector.shape_cast %mul3A_69 : vector<34x34xf32> to vector<1x34x34xf32>
    %reduce_sum3A_71 = arith.constant dense<0.000000e+00> : vector<1xf32>
    %reduce_sum3A_72 = vector.multi_reduction <add>, %reduce_sum3A_70, %reduce_sum3A_71 [1, 2] : vector<1x34x34xf32> to vector<1xf32>
    %reduce_sum3A_73 = vector.shape_cast %reduce_sum3A_72 : vector<1xf32> to vector<1x1x1xf32>
    %reduce_sum3A_74 = vector.extract %reduce_sum3A_73[0, 0, 0] : f32 from vector<1x1x1xf32>
    %mul3A_75 = arith.mulf %convert_element_type3A_56, %dot_general3A_68 : vector<34x34xf32>
    %reduce_sum3A_76 = vector.shape_cast %mul3A_75 : vector<34x34xf32> to vector<1x34x34xf32>
    %reduce_sum3A_77 = arith.constant dense<0.000000e+00> : vector<1xf32>
    %reduce_sum3A_78 = vector.multi_reduction <add>, %reduce_sum3A_76, %reduce_sum3A_77 [1, 2] : vector<1x34x34xf32> to vector<1xf32>
    %reduce_sum3A_79 = vector.shape_cast %reduce_sum3A_78 : vector<1xf32> to vector<1x1x1xf32>
    %reduce_sum3A_80 = vector.extract %reduce_sum3A_79[0, 0, 0] : f32 from vector<1x1x1xf32>
    %add3A_81 = arith.addf %reduce_sum3A_74, %reduce_sum3A_80 : f32
    %broadcast_in_dim3A_82 = vector.broadcast %add3A_81 : f32 to vector<1x1xf32>
    %swap3A = arith.constant 0 : index
    %swap3A_83 = arith.constant 0 : index
    %swap3A_84 = vector.load %arg2[%swap3A, %swap3A_83] : memref<1x1xf32, #tpu.memory_space<vmem>>, vector<1x1xf32>
    tpu.vector_store %arg2[%swap3A, %swap3A_83], %broadcast_in_dim3A_82 {strides = array<i32>} : memref<1x1xf32, #tpu.memory_space<vmem>>, vector<1x1xf32>,
    return
  }
}

</mosaic_0001>

<sc_bundles>
// kernel: kernel.5.cloned.1.call-start
scs
__scs_entry_jumppad:
0x0: {  	(pc) =	sbr.rel $0x88, $3  }
0x1: {  	(tag) =	ssettag $0x0;
	lr =	simm.s32 $0x1  }
0x2: {  	[smem:$0x3F9E] =	sst lr;
	_ =	strace $0xD0000000  }
0x3: {  	_ = 	snop  }
0x4: {  	_ = 	snop  }
0x5: {  	_ = 	snop  }
0x6: {  	_ = 	snop  }
0x7: {  	_ = 	snop  }
__scs_overlays_trampoline_lowered:
0x8: {  	[smem:$0x3FAD] =	sst s0  }
0x9: {  	[smem:$0x3FAE] =	sst s1  }
0xa: {  	[smem:$0x3FAF] =	sst s2  }
0xb: {  	[smem:$0x3FB0] =	sst s3  }
0xc: {  	[smem:$0x3FB1] =	sst s4  }
0xd: {  	[smem:$0x3FB2] =	sst s5  }
0xe: {  	[smem:$0x3FB3] =	sst s6  }
0xf: {  	[smem:$0x3FB4] =	sst s7  }
0x10: {  	[smem:$0x3FB5] =	sst s8  }
0x11: {  	[smem:$0x3FB6] =	sst s9;
	s0 =	simm.s32 @!p0 $0x0  }
0x12: {  	s1 =	sld [smem:$0x3F9C];
	s0 =	simm.s32 @p0 $0x1  }
0x13: {  	[smem:$0x3FB7] =	sst s0;
	s0 =	simm.s32 @!p1 $0x0  }
0x14: {  	s2 =	sld [smem:$0x3F9B];
	s0 =	simm.s32 @p1 $0x1  }
0x15: {  	[smem:$0x3FB8] =	sst s0;
	s0 =	simm.s32 @!p2 $0x0  }
0x16: {  	s3 =	sld [smem:$0x3FDB];
	s0 =	simm.s32 @p2 $0x1  }
0x17: {  	s4 =	simm.s32 $0x1BF5;
	[smem:$0x3FBA] =	sst s0  }
0x18: {  	s0 =	sld [smem:$0x3F9D];
	_ =	swait.ge [sflag:s4], $0x0  }
0x19: {  	s7 =	sld [smem:$0x3F9E]  }
0x1a: {  	s8 =	sadd.s32 $0xFFFFE003, lr  }
0x1b: {  	s9 =	sadd.s32 $0xFFFFFEF7, lr;
	s5 =	simm.s32 $0xFFFFFFFF;
	p2 =	slt.u32 s8, $0xFFFFF086  }
0x1c: {  	p1 =	slt.u32 s9, $0xF7A;
	s5 =	simm.s32 @!p2 $0x0  }
0x1d: {  	s5 =	simm.s32 @p1 $0x1;
	p0 =	seq.s32 s7, s2  }
0x1e: {  	s7 =	smul.u32 @!p0 $0xF7A, s2;
	p2 =	seq.s32 @!p0 s5, $0x0  }
0x1f: {  	s9 =	smul.u32 $0xF7A, s1;
	s8 =	simm.s32 @!p0 $0x1BF5;
	p2 =	por !p2, p0  }
0x20: {  	[sflag:s8] =	ssyncset.s32 @!p0 $0xFFFFF086;
	s6 =	sadd.s32 @!p0 s3, s7;
	s7 =	simm.s32 @!p0 $0x108  }
0x21: {  	s3 =	sadd.s32 s3, s9;
	s6 =	sadd.s32 @!p0 $0x88, s6;
	s7 =	simm.s32 @p2 $0x1082  }
0x22: {  	[simem:s7], [sflag:s8] =	dma.local @!p0 [hbm:s6], $0xF7A  }
0x23: {  	s9 =	sor.u32 $0xD0000000, s2;
	s6 =	simm.s32 $0x108;
	_ =	swait.ge @!p0 [sflag:s8], $0x0  }
0x24: {  	s3 =	sadd.s32 $0x88, s3;
	s6 =	simm.s32 @!p1 $0x1082;
	[sflag:s4] =	ssyncset.s32 $0xFFFFF086  }
0x25: {  	[simem:s6], [sflag:s4] =	dma.local [hbm:s3], $0xF7A  }
0x26: {  	[smem:$0x3F9E] =	sst s1;
	(tag) =	ssettag s2;
	_ =	strace s9  }
0x27: {  	s1 =	sld [smem:$0x3FAE]  }
0x28: {  	s2 =	sld [smem:$0x3FAF]  }
0x29: {  	s4 =	sld [smem:$0x3FB1]  }
0x2a: {  	p0 =	seq.s32 s5, $0x0;
	s5 =	sld [smem:$0x3FB2]  }
0x2b: {  	s6 =	sld [smem:$0x3FB3]  }
0x2c: {  	s7 =	sld [smem:$0x3FB4]  }
0x2d: {  	s3 =	simm.s32 $0x108;
	s8 =	sld [smem:$0x3FB5]  }
0x2e: {  	s3 =	simm.s32 @!p0 $0x1082;
	s9 =	sld [smem:$0x3FB6]  }
0x2f: {  	lr =	sadd.s32 s0, s3;
	s0 =	sld [smem:$0x3FAD]  }
0x30: {  	s3 =	sld [smem:$0x3FB0]  }
0x31: {  	[smem:$0x3FB9] =	sst s10  }
0x32: {  	s10 =	sld [smem:$0x3FB7];
	_ =	sdelay $0x3  }
0x33: {  	p0 =	seq.s32 s10, $0x1;
	s10 =	sld [smem:$0x3FB9];
	_ =	sdelay $0x3  }
0x34: {  	[smem:$0x3FB9] =	sst s10  }
0x35: {  	s10 =	sld [smem:$0x3FB8];
	_ =	sdelay $0x3  }
0x36: {  	p1 =	seq.s32 s10, $0x1;
	s10 =	sld [smem:$0x3FB9];
	_ =	sdelay $0x3  }
0x37: {  	[smem:$0x3FB9] =	sst s10  }
0x38: {  	s10 =	sld [smem:$0x3FBA]  }
0x39: {  	_ = 	snop;
	(pc) =	sbr.ind lr, $3  }
0x3a: {  	_ = 	snop  }
0x3b: {  	_ = 	snop  }
0x3c: {  	p2 =	seq.s32 s10, $0x1;
	s10 =	sld [smem:$0x3FB9]  }
0x3d: {  	_ =	shalt  }
0x3e: {  	_ =	shalt  }
0x3f: {  	_ =	shalt  }
0x40: {  	_ =	shalt  }
0x41: {  	_ =	shalt  }
0x42: {  	_ =	shalt  }
0x43: {  	_ =	shalt  }
0x44: {  	_ =	shalt  }
0x45: {  	_ =	shalt  }
0x46: {  	_ =	shalt  }
0x47: {  	_ =	shalt  }
0x48: {  	_ =	shalt  }
0x49: {  	_ =	shalt  }
0x4a: {  	_ =	shalt  }
0x4b: {  	_ =	shalt  }
0x4c: {  	_ =	shalt  }
0x4d: {  	_ =	shalt  }
0x4e: {  	_ =	shalt  }
0x4f: {  	_ =	shalt  }
0x50: {  	_ =	shalt  }
0x51: {  	_ =	shalt  }
0x52: {  	_ =	shalt  }
0x53: {  	_ =	shalt  }
0x54: {  	_ =	shalt  }
0x55: {  	_ =	shalt  }
0x56: {  	_ =	shalt  }
0x57: {  	_ =	shalt  }
0x58: {  	_ =	shalt  }
0x59: {  	_ =	shalt  }
0x5a: {  	_ =	shalt  }
0x5b: {  	_ =	shalt  }
0x5c: {  	_ =	shalt  }
0x5d: {  	_ =	shalt  }
0x5e: {  	_ =	shalt  }
0x5f: {  	_ =	shalt  }
0x60: {  	_ =	shalt  }
0x61: {  	_ =	shalt  }
0x62: {  	_ =	shalt  }
0x63: {  	_ =	shalt  }
0x64: {  	_ =	shalt  }
0x65: {  	_ =	shalt  }
0x66: {  	_ =	shalt  }
0x67: {  	_ =	shalt  }
0x68: {  	_ =	shalt  }
0x69: {  	_ =	shalt  }
0x6a: {  	_ =	shalt  }
0x6b: {  	_ =	shalt  }
0x6c: {  	_ =	shalt  }
0x6d: {  	_ =	shalt  }
0x6e: {  	_ =	shalt  }
0x6f: {  	_ =	shalt  }
0x70: {  	_ =	shalt  }
0x71: {  	_ =	shalt  }
0x72: {  	_ =	shalt  }
0x73: {  	_ =	shalt  }
0x74: {  	_ =	shalt  }
0x75: {  	_ =	shalt  }
0x76: {  	_ =	shalt  }
0x77: {  	_ =	shalt  }
0x78: {  	_ =	shalt  }
0x79: {  	_ =	shalt  }
0x7a: {  	_ =	shalt  }
0x7b: {  	_ =	shalt  }
0x7c: {  	_ =	shalt  }
0x7d: {  	_ =	shalt  }
0x7e: {  	_ =	shalt  }
0x7f: {  	_ =	shalt  }
0x80: {  	_ =	shalt  }
0x81: {  	_ =	shalt  }
0x82: {  	_ =	shalt  }
0x83: {  	_ =	shalt  }
0x84: {  	_ =	shalt  }
0x85: {  	_ =	shalt  }
0x86: {  	_ =	shalt  }
0x87: {  	_ =	shalt  }
.Lfunc_end0:
.L_simem_size_0:
called_computation_lowered:
.L_overlay_start_0:
0x88: {  	s2 =	sld [smem:$0x3FD9]  }
0x89: {  	s3 =	sld [smem:$0x3FFE];
	_ =	sdelay $0x1  }
0x8a: {  	s1 =	srdreg.scid  }
0x8b: {  	s0 =	sand.u32 $0x1, s1  }
0x8c: {  	s17 =	sshll.u32 s0, $0xA;
	s2 =	sadd.s32 s3, s2  }
0x8d: {  	s2 =	sadd.s32 s2, s17  }
0x8e: {  	[smem:$0x3FC5] =	sst s2  }
0x8f: {  	_ = 	snop  }
0x90: {  	s2 =	sld [smem:$0x3FC7];
	(tm) =	ssettm $0x1  }
0x91: {  	s18 =	sld [smem:$0x3FFB];
	_ =	sdelay $0x3  }
0x92: {  	_ =	strace s18  }
0x93: {  	s3 =	sld [smem:$0x3FFC];
	_ =	sdelay $0x3  }
0x94: {  	_ =	strace s3  }
0x95: {  	s3 =	sld [smem:$0x3FFD];
	_ =	sdelay $0x3  }
0x96: {  	_ =	strace s3  }
0x97: {  	_ =	strace $0x8FFFFFFF  }
0x98: {  	s19 =	sld [smem:$0x3FDB];
	_ =	sdelay $0x1  }
0x99: {  	s4 =	simm.s32 $_scs_section_size  }
0x9a: {  	s5 =	simm.s32 $_size__tile_overlayer_lowered;
	s6 =	simm.s32 $_tile_overlayer_lowered  }
0x9b: {  	s22 =	simm.s32 $0x1BFF;
	s21 =	sshll.u32 s6, $0x1;
	s3 =	sadd.s32 s4, s19  }
0x9c: {  	s7 =	simm.s32 $0x0;
	s20 =	sshll.u32 s5, $0x1;
	s5 =	sadd.s32 s21, s3  }
0x9d: {  	[timem:s7], [sflag:s22] =	dma.local [hbm:s5], s20  }
0x9e: {  	_ =	swait.ge [sflag:s22], s20  }
0x9f: {  	s4 =	ssub.s32 $0x0, s20;
	[sflag:s22] =	ssyncset.done $0x0  }
0xa0: {  	[sflag:s22] =	ssyncadd.s32 s4;
	_ =	sdelay $0x1  }
0xa1: {  	s23 =	simm.s32 $0x1B8B  }
0xa2: {  	_ =	swait.ge [sflag:s23], $0x1  }
0xa3: {  	[sflag:s23] =	ssyncset.done $0x0  }
0xa4: {  	s25 =	simm.s32 $0x1B8E;
	s24 =	sld [smem:$0x3FFE];
	[sflag:s23] =	ssyncadd.s32 $0xFFFFFFFF  }
0xa5: {  	s26 =	simm.s32 $execute0_lowered;
	[smem:$0x3FD2] =	sst s25  }
0xa6: {  	s5 =	sshll.u32 s26, $0x1;
	_ =	strace $0x80000046;
	[dreg:$0x1] =	wrdreg $0xFFFFFFFF  }
0xa7: {  	s28 =	simm.s32 $_size_execute0_lowered;
	s3 =	sadd.s32 s3, s5;
	[dreg:$0x0] =	wrdreg $0x0  }
0xa8: {  	s5 =	sshll.u32 s28, $0x1;
	[dreg:$0x2] =	wrdreg s3  }
0xa9: {  	[dreg:$0x3] =	wrdreg s5  }
0xaa: {  	[dreg:$0x4] =	wrdreg $0xC0  }
0xab: {  	_ =	task [dreg:s7], $0x5FFFF  }
0xac: {  	[dreg:$0x1] =	wrdreg $0xFFFFFFFF  }
0xad: {  	[dreg:$0x0] =	wrdreg $0x60  }
0xae: {  	[dreg:$0x2] =	wrdreg s24  }
0xaf: {  	[dreg:$0x3] =	wrdreg s2  }
0xb0: {  	[dreg:$0x4] =	wrdreg $0x76000  }
0xb1: {  	[dreg:$0x5] =	wrdreg $0x9  }
0xb2: {  	_ =	task.clear_ibuf [dreg:s7], $0x6FFFF;
	_ =	strace $0x90000046  }
0xb3: {  	s29 =	simm.s32 $0x9;
	_ =	strace $0x80000048  }
0xb4: {  	_ =	swait.ge [sflag:s29], $0x1  }
0xb5: {  	[sflag:s29] =	ssyncadd.s32 $0xFFFFFFFF  }
0xb6: {  	_ =	strace $0x90000048  }
0xb7: {  	_ =	sfence  }
0xb8: {  	s30 =	sld [smem:$0x0];
	_ =	sdelay $0x2  }
0xb9: {  	s31 =	sshll.u32 s1, $0xD;
	s1 =	sshrl.u32 s1, $0x2  }
0xba: {  	s3 =	sand.u32 $0x4000, s31;
	s1 =	sadd.s32 s1, s30  }
0xbb: {  	s0 =	sor.u32 s3, s0;
	s1 =	sshll.u32 s1, $0x11  }
0xbc: {  	s0 =	sor.u32 s1, s0  }
0xbd: {  	s0 =	sadd.s32 $0x8F2B, s0  }
0xbe: {  	[sflag:s0] =	ssyncadd.remote.s32 $0x1  }
0xbf: {  	_ =	sfence.sel $0xFFFF  }
0xc0: {  	[dreg:$0x0] =	wrdreg $0xFFFFFFFF;
	(pc) =	sbr.abs _section_cstart, $3  }
0xc1: {  	[dreg:$0x1] =	wrdreg $0xFFFFFFFF  }
0xc2: {  	_ =	task.clear_ibuf [dreg:s7], $0x2FFFF;
	_ =	strace $0x9FFFFFFF  }
0xc3: {  	(tm) =	ssettm $0x7FFFFFFF  }
tec
execute0_lowered:
.L_overlay_start_1:
0x0: {  	(tag) =	ssettag $0x1  }
0x1: {  	s0 =	rddreg [dreg:$0x0]  }
0x2: {  	s11 =	rddreg [dreg:$0x1];
	s1 =	srdreg.scid  }
0x3: {  	s2 =	rddreg [dreg:$0x2];
	s10 =	stileid.u32  }
0x4: {  	s3 =	simm.s32 $0x0;
	s28 =	simm.s32 $0x1;
	s29 =	simm.s32 $0x3200  }
0x5: {  	s30 =	simm.s32 $0x4300;
	s31 =	simm.s32 $0x5400;
	s16 =	smul.u32 $0x110, s10  }
0x6: {  	s1 =	sand.u32 $0x1, s1;
	s4 =	sshll.u32 s10, $0x6;
	s8 =	smul.u32 $0x440, s10  }
0x7: {  	[smem:$0x7FF] =	sst s3;
	s26 =	smul.u32 $0x4400, s10;
	s5 =	sshll.u32 s1, $0x5  }
0x8: {  	s6 =	smul.u32 $0x1100, s1;
	_ =	strace $0x80000047;
	s4 =	sor.u32 s5, s4  }
0x9: {  	s1 =	ssub.s32 $0x2, s1;
	s17 =	sshrl.u32 s8, $0x2;
	s4 =	sshrl.u32 s4, $0x3  }
0xa: {  	s18 =	sadd.s32 s16, s2;
	s6 =	sadd.s32 s16, s6;
	s7 =	smul.u32 $0x180, s4  }
0xb: {  	[dreg:$0x6] =	wrdreg s18;
	s6 =	sshrl.u32 s6, $0x3;
	s4 =	sadd.s32 s11, s4  }
0xc: {  	s4 =	sadd.s32 $0x28, s4;
	s7 =	sadd.s32 s7, s0;
	s0 =	sadd.s32 s6, s0  }
0xd: {  	s6 =	sadd.s32 s17, s2;
	[dreg:$0x5] =	wrdreg s4;
	s7 =	sadd.s32 $0xC00, s7  }
0xe: {  	s9 =	sshrl.u32 s1, $0x1;
	s19 =	sadd.s32 $0x1100, s6;
	[dreg:$0x4] =	wrdreg s7  }
0xf: {  	s1 =	ssub.s32 s1, s9;
	s20 =	sadd.s32 $0x2200, s6;
	[dreg:$0x7] =	wrdreg s19  }
0x10: {  	s4 =	sshrl.u32 s26, $0x2;
	s21 =	sadd.s32 $0x3300, s6;
	[dreg:$0x8] =	wrdreg s20  }
0x11: {  	s26 =	simm.s32 $0x0;
	s22 =	sadd.s32 $0x4400, s6;
	[dreg:$0x9] =	wrdreg s21  }
0x12: {  	s23 =	sadd.s32 $0x5500, s6;
	s24 =	sadd.s32 $0x6600, s6;
	[dreg:$0xa] =	wrdreg s22  }
0x13: {  	s25 =	sadd.s32 $0x7700, s6;
	s14 =	sadd.s32 $0x8800, s6;
	[dreg:$0xb] =	wrdreg s23  }
0x14: {  	s15 =	sadd.s32 $0x9900, s6;
	s16 =	sadd.s32 $0xAA00, s6;
	[dreg:$0xc] =	wrdreg s24  }
0x15: {  	s17 =	sadd.s32 $0xBB00, s6;
	s18 =	sadd.s32 $0xCC00, s6;
	[dreg:$0xd] =	wrdreg s25  }
0x16: {  	s19 =	sadd.s32 $0xDD00, s6;
	s20 =	sadd.s32 $0xEE00, s6;
	s21 =	sadd.s32 $0xFF00, s6  }
0x17: {  	v0 =	vlaneseq.u32;
	s22 =	sadd.s32 s4, s2;
	s23 =	sadd.s32 $0xCC00, s0;
	s24 =	smax.u32 s1, $0x1  }
0x18: {  	v1 =	vimm.f32 $0.0e+00;
	v2 =	vimm.s32 $0xC8;
	v3 =	vor.u32 $0x10, v0;
	s0 =	simm.s32 $0x6500;
	s1 =	simm.s32 $0x2;
	s25 =	simm.s32 $0x0  }
.LBB2_1:
0x19: {  	s2 =	rddreg [dreg:$0x4]  }
0x1a: {  	s11 =	rddreg [dreg:$0x1]  }
0x1b: {  	[tilespmem:s3], [sflag:$0x1] =	stream.linear.gather [hbm4b:s2+s3], $0x3000, $0x38;
	[tilespmem:$0x9980] =	vst v63  }
0x1c: {  	s4 =	simm.s32 $0x3000;
	s12 =	rddreg [dreg:$0x5]  }
0x1d: {  	[tilespmem:s4], [sflag:$0x1] =	stream.linear.gather [hbm4b:s11+s3], $0x140, $0x38;
	[tilespmem:$0x9980] =	vst v63  }
0x1e: {  	s13 =	simm.s32 $0x3180;
	s2 =	simm.s32 $0x0;
	s4 =	simm.s32 $0x200  }
0x1f: {  	[tilespmem:s13], [sflag:$0x1] =	stream.linear.gather [hbm4b:s12+s3], $0x20, $0x38;
	[tilespmem:$0x9980] =	vst v63  }
.LBB2_2:
0x20: {  	p0 =	sne.s32 s4, $0x4200;
	[tilespmem:s2+$0x6570] =	vst v1  }
0x21: {  	[tilespmem:s2+$0x3200] =	vst v1  }
0x22: {  	[tilespmem:s2+$0x4300] =	vst v1  }
0x23: {  	[tilespmem:s2+$0x5400] =	vst v1  }
0x24: {  	[tilespmem:s2+$0x6500] =	vst v1  }
0x25: {  	[tilespmem:s2+$0x3210] =	vst v1  }
0x26: {  	[tilespmem:s2+$0x4310] =	vst v1  }
0x27: {  	[tilespmem:s2+$0x5410] =	vst v1  }
0x28: {  	[tilespmem:s2+$0x6510] =	vst v1  }
0x29: {  	[tilespmem:s2+$0x3220] =	vst v1  }
0x2a: {  	[tilespmem:s2+$0x4320] =	vst v1  }
0x2b: {  	[tilespmem:s2+$0x5420] =	vst v1  }
0x2c: {  	[tilespmem:s2+$0x6520] =	vst v1  }
0x2d: {  	[tilespmem:s2+$0x3230] =	vst v1  }
0x2e: {  	[tilespmem:s2+$0x4330] =	vst v1  }
0x2f: {  	[tilespmem:s2+$0x5430] =	vst v1  }
0x30: {  	[tilespmem:s2+$0x6530] =	vst v1  }
0x31: {  	[tilespmem:s2+$0x3240] =	vst v1  }
0x32: {  	[tilespmem:s2+$0x4340] =	vst v1  }
0x33: {  	[tilespmem:s2+$0x5440] =	vst v1  }
0x34: {  	[tilespmem:s2+$0x6540] =	vst v1  }
0x35: {  	[tilespmem:s2+$0x3250] =	vst v1  }
0x36: {  	[tilespmem:s2+$0x4350] =	vst v1  }
0x37: {  	[tilespmem:s2+$0x5450] =	vst v1  }
0x38: {  	[tilespmem:s2+$0x6550] =	vst v1  }
0x39: {  	[tilespmem:s2+$0x3260] =	vst v1  }
0x3a: {  	[tilespmem:s2+$0x4360] =	vst v1  }
.Ltmp0:
0x3b: {  	[tilespmem:s2+$0x5460] =	vst v1;
	(pc) =	sbr.rel @p0 .LBB2_2-.Ltmp0, $4  }
0x3c: {  	[tilespmem:s2+$0x6560] =	vst v1  }
0x3d: {  	[tilespmem:s2+$0x3270] =	vst v1  }
0x3e: {  	[tilespmem:s2+$0x4370] =	vst v1  }
0x3f: {  	[tilespmem:s2+$0x5470] =	vst v1;
	s2 =	sshra.s32 s4, $0x2;
	s4 =	sadd.s32 $0x200, s4  }
0x40: {  	[tilespmem:s2+$0x6570] =	vst v1  }
0x41: {  	[tilespmem:s2+$0x3200] =	vst v1  }
0x42: {  	[tilespmem:s2+$0x4300] =	vst v1  }
0x43: {  	[tilespmem:s2+$0x5400] =	vst v1  }
0x44: {  	[tilespmem:s2+$0x6500] =	vst v1  }
0x45: {  	[tilespmem:s2+$0x3210] =	vst v1  }
0x46: {  	[tilespmem:s2+$0x4310] =	vst v1  }
0x47: {  	[tilespmem:s2+$0x5410] =	vst v1  }
0x48: {  	[tilespmem:s2+$0x6510] =	vst v1  }
0x49: {  	[tilespmem:s2+$0x3220] =	vst v1  }
0x4a: {  	[tilespmem:s2+$0x4320] =	vst v1  }
0x4b: {  	[tilespmem:s2+$0x5420] =	vst v1  }
0x4c: {  	[tilespmem:s2+$0x6520] =	vst v1  }
0x4d: {  	[tilespmem:s2+$0x3230] =	vst v1  }
0x4e: {  	[tilespmem:s2+$0x4330] =	vst v1  }
0x4f: {  	[tilespmem:s2+$0x5430] =	vst v1  }
0x50: {  	[tilespmem:s2+$0x6530] =	vst v1  }
0x51: {  	[tilespmem:s2+$0x3240] =	vst v1  }
0x52: {  	[tilespmem:s2+$0x4340] =	vst v1  }
0x53: {  	[tilespmem:s2+$0x5440] =	vst v1  }
0x54: {  	[tilespmem:s2+$0x6540] =	vst v1  }
0x55: {  	[tilespmem:s2+$0x3250] =	vst v1  }
0x56: {  	[tilespmem:s2+$0x4350] =	vst v1  }
0x57: {  	[tilespmem:s2+$0x5450] =	vst v1  }
0x58: {  	[tilespmem:s2+$0x6550] =	vst v1  }
0x59: {  	[tilespmem:s2+$0x3260] =	vst v1  }
0x5a: {  	[tilespmem:s2+$0x4360] =	vst v1  }
0x5b: {  	[tilespmem:s2+$0x5460] =	vst v1  }
0x5c: {  	[tilespmem:s2+$0x6560] =	vst v1  }
0x5d: {  	[tilespmem:s2+$0x3270] =	vst v1  }
0x5e: {  	[tilespmem:s2+$0x4370] =	vst v1  }
0x5f: {  	[tilespmem:s2+$0x5470] =	vst v1  }
0x60: {  	_ =	swait.ge [sflag:s28], $0x3000  }
0x61: {  	[sflag:s28] =	ssyncset.done $0x0  }
0x62: {  	[sflag:s28] =	ssyncadd.s32 $0xFFFFD000  }
0x63: {  	_ =	swait.ge [sflag:s28], $0x140  }
0x64: {  	[sflag:s28] =	ssyncset.done $0x0  }
0x65: {  	[sflag:s28] =	ssyncadd.s32 $0xFFFFFEC0  }
0x66: {  	_ =	swait.ge [sflag:s28], $0x20  }
0x67: {  	[sflag:s28] =	ssyncset.done $0x0  }
0x68: {  	s2 =	simm.s32 $0x0;
	[sflag:s28] =	ssyncadd.s32 $0xFFFFFFE0  }
.LBB2_4:
0x69: {  	s4 =	sshrl.u32 s2, $0x3  }
0x6a: {  	s4 =	smul.u32 $0x3000, s4  }
0x6b: {  	s5 =	sshll.u32 s2, $0x7  }
0x6c: {  	s6 =	sand.u32 $0x3000, s26;
	s5 =	sand.u32 $0x380, s5;
	s4 =	sshra.s32 s4, $0x2  }
0x6d: {  	s9 =	sshrl.u32 s6, $0x2;
	s4 =	sor.u32 s5, s4  }
0x6e: {  	s7 =	sand.u32 $0x40, s26;
	s6 =	sadd.s32 s9, s4  }
0x6f: {  	s5 =	sadd.s32 s7, s6  }
0x70: {  	v5 =	vld [tilespmem:s5+$0x0];
	_ =	sdelay $0x1  }
0x71: {  	v4 =	vld.msk [tilespmem:s2+$0x3180 ss:$0x0], $0xffff;
	s5 =	simm.s32 $0x3000  }
0x72: {  	v6 =	vld [tilespmem:s5+$0x0];
	_ =	sdelay $0x1  }
0x73: {  	v5 =	vmul.f32 $6.400000000e+01, v5;
	_ =	sdelay $0x1  }
0x74: {  	v7 =	vtrunc.f32 v5  }
0x75: {  	vm0 =	veq.s32 v6, v4;
	v7 =	vcvt.f32.s32 v7  }
0x76: {  	v6 =	vsel vm0, $0x40, v2  }
0x77: {  	v6 =	vadd.s32 v7, v6  }
0x78: {  	v6 =	vshll.u32 v6, $0x4  }
0x79: {  	v7 =	vcvt.s32.f32 v7;
	v8 =	vor.u32 v0, v6  }
0x7a: {  	v6 =	vadd.s32 v3, v6  }
0x7b: {  	v9 =	vadd.f32 $1.000000000e+00, v7  }
0x7c: {  	v7 =	vsub.f32 v5, v7  }
0x7d: {  	v5 =	vsub.f32 v9, v5  }
0x7e: {  	s8 =	sor.u32 $0x10, s7;
	[tilespmem:v8+s29+$0x0] =	vst.idx.add.f32.msk $0xffff, v7  }
0x7f: {  	s9 =	sadd.s32 s8, s6;
	[tilespmem:v6+s29+$0x0] =	vst.idx.add.f32.msk $0xffff, v5  }
0x80: {  	s10 =	sand.u32 $0x180, s26;
	v5 =	vld [tilespmem:s9+$0x0]  }
0x81: {  	s9 =	sor.u32 $0x3000, s10  }
0x82: {  	s8 =	sor.u32 s8, s9  }
0x83: {  	v6 =	vld [tilespmem:s8+$0x0];
	_ =	sdelay $0x1  }
0x84: {  	v5 =	vmul.f32 $6.400000000e+01, v5;
	_ =	sdelay $0x1  }
0x85: {  	v7 =	vtrunc.f32 v5  }
0x86: {  	vm13 =	veq.s32 v6, v4;
	v7 =	vcvt.f32.s32 v7  }
0x87: {  	v6 =	vsel vm13, $0x40, v2  }
0x88: {  	v6 =	vadd.s32 v7, v6  }
0x89: {  	v6 =	vshll.u32 v6, $0x4  }
0x8a: {  	v7 =	vcvt.s32.f32 v7;
	v8 =	vor.u32 v0, v6  }
0x8b: {  	v6 =	vadd.s32 v3, v6  }
0x8c: {  	v61 =	vadd.f32 $1.000000000e+00, v7  }
0x8d: {  	v7 =	vsub.f32 v5, v7  }
0x8e: {  	v5 =	vsub.f32 v61, v5  }
0x8f: {  	s11 =	sor.u32 $0x20, s7;
	[tilespmem:v8+s30+$0x0] =	vst.idx.add.f32.msk $0xffff, v7  }
0x90: {  	s10 =	sadd.s32 s11, s6;
	[tilespmem:v6+s30+$0x0] =	vst.idx.add.f32.msk $0xffff, v5  }
0x91: {  	v5 =	vld [tilespmem:s10+$0x0];
	_ =	sdelay $0x1  }
0x92: {  	s8 =	sor.u32 s11, s9  }
0x93: {  	v6 =	vld [tilespmem:s8+$0x0];
	_ =	sdelay $0x1  }
0x94: {  	v5 =	vmul.f32 $6.400000000e+01, v5;
	_ =	sdelay $0x1  }
0x95: {  	v7 =	vtrunc.f32 v5  }
0x96: {  	vm14 =	veq.s32 v6, v4;
	v7 =	vcvt.f32.s32 v7  }
0x97: {  	v6 =	vsel vm14, $0x40, v2  }
0x98: {  	v6 =	vadd.s32 v7, v6  }
0x99: {  	v6 =	vshll.u32 v6, $0x4  }
0x9a: {  	v7 =	vcvt.s32.f32 v7;
	v8 =	vor.u32 v0, v6  }
0x9b: {  	v6 =	vadd.s32 v3, v6  }
0x9c: {  	v62 =	vadd.f32 $1.000000000e+00, v7  }
0x9d: {  	v7 =	vsub.f32 v5, v7  }
0x9e: {  	v5 =	vsub.f32 v62, v5  }
0x9f: {  	s7 =	sor.u32 $0x30, s7;
	[tilespmem:v8+s31+$0x0] =	vst.idx.add.f32.msk $0xffff, v7  }
0xa0: {  	s6 =	sadd.s32 s7, s6;
	[tilespmem:v6+s31+$0x0] =	vst.idx.add.f32.msk $0xffff, v5  }
0xa1: {  	v5 =	vld [tilespmem:s6+$0x0];
	_ =	sdelay $0x1  }
0xa2: {  	s12 =	sor.u32 s7, s9  }
0xa3: {  	v6 =	vld [tilespmem:s12+$0x0];
	_ =	sdelay $0x1  }
0xa4: {  	v7 =	vmul.f32 $6.400000000e+01, v5;
	_ =	sdelay $0x1  }
0xa5: {  	v5 =	vtrunc.f32 v7  }
0xa6: {  	vm15 =	veq.s32 v6, v4;
	v5 =	vcvt.f32.s32 v5  }
0xa7: {  	v6 =	vsel vm15, $0x40, v2  }
0xa8: {  	v6 =	vadd.s32 v5, v6  }
0xa9: {  	v6 =	vshll.u32 v6, $0x4  }
0xaa: {  	v5 =	vcvt.s32.f32 v5;
	v8 =	vor.u32 v0, v6;
	_ =	sdelay $0x1  }
0xab: {  	s9 =	simm.s32 $0x800;
	v63 =	vsub.f32 v7, v5;
	v10 =	vadd.f32 $1.000000000e+00, v5;
	v5 =	vadd.s32 v3, v6  }
0xac: {  	s13 =	sand.u32 $0x3000, s9  }
0xad: {  	s7 =	sshrl.u32 s13, $0x2;
	s6 =	simm.s32 $0x40  }
0xae: {  	s11 =	simm.s32 $0x80;
	s7 =	sadd.s32 s7, s4;
	s8 =	sand.u32 $0x40, s6;
	v6 =	vsub.f32 v10, v7;
	[tilespmem:v8+s0+$0x0] =	vst.idx.add.f32.msk $0xffff, v63  }
.LBB2_5:
0xaf: {  	s12 =	sadd.s32 s8, s7  }
0xb0: {  	[tilespmem:v5+s0+$0x0] =	vst.idx.add.f32.msk $0xffff, v6;
	s5 =	sadd.s32 $0x40, s5;
	s13 =	smov.u32 s11;
	s10 =	sadd.s32 $0x40, s11  }
0xb1: {  	p0 =	sne.s32 s11, $0x100;
	v5 =	vld [tilespmem:s12+$0x0];
	_ =	sdelay $0x2  }
0xb2: {  	v6 =	vld [tilespmem:s5+$0x0];
	_ =	sdelay $0x1  }
0xb3: {  	v5 =	vmul.f32 $6.400000000e+01, v5;
	_ =	sdelay $0x1  }
0xb4: {  	v7 =	vtrunc.f32 v5  }
0xb5: {  	v7 =	vcvt.f32.s32 v7;
	vm0 =	veq.s32 v6, v4  }
0xb6: {  	v6 =	vsel vm0, $0x40, v2  }
0xb7: {  	v8 =	vcvt.s32.f32 v7;
	v6 =	vadd.s32 v7, v6  }
0xb8: {  	v6 =	vshll.u32 v6, $0x4  }
0xb9: {  	v7 =	vsub.f32 v5, v8;
	v8 =	vadd.f32 $1.000000000e+00, v8;
	v9 =	vor.u32 v0, v6  }
0xba: {  	v6 =	vadd.s32 v3, v6  }
0xbb: {  	v5 =	vsub.f32 v8, v5;
	_ =	sdelay $0x2  }
0xbc: {  	s12 =	sor.u32 $0x10, s8;
	[tilespmem:v9+s29+$0x0] =	vst.idx.add.f32.msk $0xffff, v7  }
0xbd: {  	s11 =	sadd.s32 s12, s7;
	[tilespmem:v6+s29+$0x0] =	vst.idx.add.f32.msk $0xffff, v5  }
0xbe: {  	v5 =	vld [tilespmem:s11+$0x0];
	s11 =	sand.u32 $0x180, s6;
	s6 =	smov.u32 s13  }
0xbf: {  	s11 =	sor.u32 $0x3000, s11  }
0xc0: {  	s12 =	sor.u32 s12, s11  }
0xc1: {  	v6 =	vld [tilespmem:s12+$0x0];
	_ =	sdelay $0x1  }
0xc2: {  	v5 =	vmul.f32 $6.400000000e+01, v5;
	_ =	sdelay $0x1  }
0xc3: {  	v7 =	vtrunc.f32 v5  }
0xc4: {  	v7 =	vcvt.f32.s32 v7;
	vm0 =	veq.s32 v6, v4  }
0xc5: {  	v6 =	vsel vm0, $0x40, v2  }
0xc6: {  	v8 =	vcvt.s32.f32 v7;
	v6 =	vadd.s32 v7, v6  }
0xc7: {  	v6 =	vshll.u32 v6, $0x4  }
0xc8: {  	v7 =	vsub.f32 v5, v8;
	v8 =	vadd.f32 $1.000000000e+00, v8;
	v9 =	vor.u32 v0, v6  }
0xc9: {  	v6 =	vadd.s32 v3, v6  }
0xca: {  	v5 =	vsub.f32 v8, v5;
	_ =	sdelay $0x2  }
0xcb: {  	s12 =	sor.u32 $0x20, s8;
	[tilespmem:v9+s30+$0x0] =	vst.idx.add.f32.msk $0xffff, v7  }
0xcc: {  	s13 =	sadd.s32 s12, s7;
	[tilespmem:v6+s30+$0x0] =	vst.idx.add.f32.msk $0xffff, v5  }
0xcd: {  	v5 =	vld [tilespmem:s13+$0x0];
	_ =	sdelay $0x1  }
0xce: {  	s12 =	sor.u32 s12, s11  }
0xcf: {  	v6 =	vld [tilespmem:s12+$0x0];
	_ =	sdelay $0x1  }
0xd0: {  	v5 =	vmul.f32 $6.400000000e+01, v5;
	_ =	sdelay $0x1  }
0xd1: {  	v7 =	vtrunc.f32 v5  }
0xd2: {  	v7 =	vcvt.f32.s32 v7;
	vm0 =	veq.s32 v6, v4  }
0xd3: {  	v6 =	vsel vm0, $0x40, v2  }
0xd4: {  	v8 =	vcvt.s32.f32 v7;
	v6 =	vadd.s32 v7, v6  }
0xd5: {  	v6 =	vshll.u32 v6, $0x4  }
0xd6: {  	v7 =	vsub.f32 v5, v8;
	v8 =	vadd.f32 $1.000000000e+00, v8;
	v9 =	vor.u32 v0, v6  }
0xd7: {  	v6 =	vadd.s32 v3, v6  }
0xd8: {  	v5 =	vsub.f32 v8, v5;
	_ =	sdelay $0x2  }
0xd9: {  	s8 =	sor.u32 $0x30, s8;
	[tilespmem:v9+s31+$0x0] =	vst.idx.add.f32.msk $0xffff, v7  }
0xda: {  	s7 =	sadd.s32 s8, s7;
	[tilespmem:v6+s31+$0x0] =	vst.idx.add.f32.msk $0xffff, v5  }
0xdb: {  	v5 =	vld [tilespmem:s7+$0x0];
	s7 =	sor.u32 s8, s11  }
0xdc: {  	v6 =	vld [tilespmem:s7+$0x0];
	_ =	sdelay $0x3  }
0xdd: {  	v7 =	vmul.f32 $6.400000000e+01, v5  }
0xde: {  	vm0 =	veq.s32 v6, v4  }
0xdf: {  	v5 =	vtrunc.f32 v7  }
0xe0: {  	v5 =	vcvt.f32.s32 v5  }
0xe1: {  	v6 =	vsel vm0, $0x40, v2  }
0xe2: {  	v8 =	vcvt.s32.f32 v5;
	v5 =	vadd.s32 v5, v6  }
0xe3: {  	v5 =	vshll.u32 v5, $0x4  }
0xe4: {  	v9 =	vsub.f32 v7, v8;
	v6 =	vadd.f32 $1.000000000e+00, v8;
	v8 =	vor.u32 v0, v5  }
.Ltmp1:
0xe5: {  	v5 =	vadd.s32 v3, v5;
	(pc) =	sbr.rel @p0 .LBB2_5-.Ltmp1, $4  }
0xe6: {  	s9 =	sadd.s32 $0x800, s9;
	v6 =	vsub.f32 v6, v7  }
0xe7: {  	s7 =	sand.u32 $0x3000, s9  }
0xe8: {  	s7 =	sshrl.u32 s7, $0x2  }
0xe9: {  	s8 =	sand.u32 $0x40, s6;
	s11 =	smov.u32 s10;
	s7 =	sadd.s32 s7, s4;
	[tilespmem:v8+s0+$0x0] =	vst.idx.add.f32.msk $0xffff, v9  }
0xea: {  	_ =	sdelay $0x3  }
0xeb: {  	s4 =	sadd.s32 s8, s7;
	[tilespmem:v5+s0+$0x0] =	vst.idx.add.f32.msk $0xffff, v6  }
0xec: {  	v5 =	vld [tilespmem:s4+$0x0];
	_ =	sdelay $0x1  }
0xed: {  	s11 =	sadd.s32 $0x40, s5  }
0xee: {  	v6 =	vld [tilespmem:s11+$0x0];
	_ =	sdelay $0x1  }
0xef: {  	v5 =	vmul.f32 $6.400000000e+01, v5;
	_ =	sdelay $0x1  }
0xf0: {  	v7 =	vtrunc.f32 v5  }
0xf1: {  	vm0 =	veq.s32 v6, v4;
	v7 =	vcvt.f32.s32 v7  }
0xf2: {  	v6 =	vsel vm0, $0x40, v2  }
0xf3: {  	v6 =	vadd.s32 v7, v6  }
0xf4: {  	v6 =	vshll.u32 v6, $0x4  }
0xf5: {  	v7 =	vcvt.s32.f32 v7;
	v8 =	vor.u32 v0, v6  }
0xf6: {  	v6 =	vadd.s32 v3, v6  }
0xf7: {  	v9 =	vadd.f32 $1.000000000e+00, v7  }
0xf8: {  	v7 =	vsub.f32 v5, v7  }
0xf9: {  	v5 =	vsub.f32 v9, v5  }
0xfa: {  	s12 =	sor.u32 $0x10, s8;
	[tilespmem:v8+s29+$0x0] =	vst.idx.add.f32.msk $0xffff, v7  }
0xfb: {  	s13 =	sadd.s32 s12, s7;
	[tilespmem:v6+s29+$0x0] =	vst.idx.add.f32.msk $0xffff, v5  }
0xfc: {  	s9 =	sand.u32 $0x180, s6;
	v5 =	vld [tilespmem:s13+$0x0]  }
0xfd: {  	s5 =	sor.u32 $0x3000, s9  }
0xfe: {  	s4 =	sor.u32 s12, s5  }
0xff: {  	v6 =	vld [tilespmem:s4+$0x0];
	_ =	sdelay $0x1  }
0x100: {  	v5 =	vmul.f32 $6.400000000e+01, v5;
	_ =	sdelay $0x1  }
0x101: {  	v55 =	vtrunc.f32 v5  }
0x102: {  	vm13 =	veq.s32 v6, v4;
	v7 =	vcvt.f32.s32 v55  }
0x103: {  	v6 =	vsel vm13, $0x40, v2  }
0x104: {  	v6 =	vadd.s32 v7, v6  }
0x105: {  	v6 =	vshll.u32 v6, $0x4  }
0x106: {  	v7 =	vcvt.s32.f32 v7;
	v56 =	vor.u32 v0, v6  }
0x107: {  	v6 =	vadd.s32 v3, v6  }
0x108: {  	v57 =	vadd.f32 $1.000000000e+00, v7  }
0x109: {  	v7 =	vsub.f32 v5, v7  }
0x10a: {  	v5 =	vsub.f32 v57, v5  }
0x10b: {  	s10 =	sor.u32 $0x20, s8;
	[tilespmem:v56+s30+$0x0] =	vst.idx.add.f32.msk $0xffff, v7  }
0x10c: {  	s11 =	sadd.s32 s10, s7;
	[tilespmem:v6+s30+$0x0] =	vst.idx.add.f32.msk $0xffff, v5  }
0x10d: {  	v5 =	vld [tilespmem:s11+$0x0];
	_ =	sdelay $0x1  }
0x10e: {  	s4 =	sor.u32 s10, s5  }
0x10f: {  	v6 =	vld [tilespmem:s4+$0x0];
	_ =	sdelay $0x1  }
0x110: {  	v5 =	vmul.f32 $6.400000000e+01, v5;
	_ =	sdelay $0x1  }
0x111: {  	v58 =	vtrunc.f32 v5  }
0x112: {  	vm14 =	veq.s32 v6, v4;
	v7 =	vcvt.f32.s32 v58  }
0x113: {  	v6 =	vsel vm14, $0x40, v2  }
0x114: {  	v6 =	vadd.s32 v7, v6  }
0x115: {  	v6 =	vshll.u32 v6, $0x4  }
0x116: {  	v7 =	vcvt.s32.f32 v7;
	v59 =	vor.u32 v0, v6  }
0x117: {  	v6 =	vadd.s32 v3, v6  }
0x118: {  	v60 =	vadd.f32 $1.000000000e+00, v7  }
0x119: {  	v7 =	vsub.f32 v5, v7  }
0x11a: {  	v5 =	vsub.f32 v60, v5  }
0x11b: {  	s12 =	sor.u32 $0x30, s8;
	[tilespmem:v59+s31+$0x0] =	vst.idx.add.f32.msk $0xffff, v7  }
0x11c: {  	s13 =	sadd.s32 s12, s7;
	[tilespmem:v6+s31+$0x0] =	vst.idx.add.f32.msk $0xffff, v5  }
0x11d: {  	v5 =	vld [tilespmem:s13+$0x0];
	_ =	sdelay $0x1  }
0x11e: {  	s4 =	sor.u32 s12, s5  }
0x11f: {  	v6 =	vld [tilespmem:s4+$0x0];
	_ =	sdelay $0x1  }
0x120: {  	v5 =	vmul.f32 $6.400000000e+01, v5;
	_ =	sdelay $0x1  }
0x121: {  	v61 =	vtrunc.f32 v5  }
0x122: {  	vm15 =	veq.s32 v6, v4;
	v4 =	vcvt.f32.s32 v61  }
0x123: {  	v6 =	vsel vm15, $0x40, v2  }
0x124: {  	v6 =	vadd.s32 v4, v6  }
0x125: {  	v6 =	vshll.u32 v6, $0x4  }
0x126: {  	s2 =	sadd.s32 $0x1, s2;
	v4 =	vcvt.s32.f32 v4;
	v62 =	vor.u32 v0, v6  }
0x127: {  	p0 =	sne.s32 s2, $0x20;
	v6 =	vadd.s32 v3, v6  }
.Ltmp2:
0x128: {  	v63 =	vadd.f32 $1.000000000e+00, v4;
	(pc) =	sbr.rel @p0 .LBB2_4-.Ltmp2, $4  }
0x129: {  	v4 =	vsub.f32 v5, v4  }
0x12a: {  	v5 =	vsub.f32 v63, v5  }
0x12b: {  	[tilespmem:v62+s0+$0x0] =	vst.idx.add.f32.msk $0xffff, v4  }
0x12c: {  	[tilespmem:v6+s0+$0x0] =	vst.idx.add.f32.msk $0xffff, v5  }
0x12d: {  	s2 =	simm.s32 $0x0  }
0x12e: {  	v10 =	vld [tilespmem:s2+$0x4300]  }
0x12f: {  	v11 =	vld [tilespmem:s2+$0x5400]  }
0x130: {  	v12 =	vld [tilespmem:s2+$0x6500]  }
0x131: {  	v18 =	vld [tilespmem:s2+$0x4310]  }
0x132: {  	v13 =	vld [tilespmem:s2+$0x5410]  }
0x133: {  	v14 =	vld [tilespmem:s2+$0x6510]  }
0x134: {  	v4 =	vld [tilespmem:s2+$0x4320]  }
0x135: {  	v15 =	vld [tilespmem:s2+$0x5420]  }
0x136: {  	v17 =	vld [tilespmem:s2+$0x6520]  }
0x137: {  	v5 =	vld [tilespmem:s2+$0x4330]  }
0x138: {  	v19 =	vld [tilespmem:s2+$0x5430]  }
0x139: {  	v23 =	vld [tilespmem:s2+$0x6530]  }
0x13a: {  	v6 =	vld [tilespmem:s2+$0x4340]  }
0x13b: {  	v24 =	vld [tilespmem:s2+$0x5440]  }
0x13c: {  	v25 =	vld [tilespmem:s2+$0x6540]  }
0x13d: {  	v7 =	vld [tilespmem:s2+$0x4350]  }
0x13e: {  	v26 =	vld [tilespmem:s2+$0x5450]  }
0x13f: {  	v27 =	vld [tilespmem:s2+$0x6550]  }
0x140: {  	v8 =	vld [tilespmem:s2+$0x4360]  }
0x141: {  	v28 =	vld [tilespmem:s2+$0x5460]  }
0x142: {  	v29 =	vld [tilespmem:s2+$0x6560]  }
0x143: {  	v9 =	vld [tilespmem:s2+$0x4370]  }
0x144: {  	v30 =	vld [tilespmem:s2+$0x5470]  }
0x145: {  	v31 =	vld [tilespmem:s2+$0x6570]  }
0x146: {  	v32 =	vld [tilespmem:s2+$0x3200]  }
0x147: {  	v33 =	vld [tilespmem:s2+$0x3210]  }
0x148: {  	v22 =	vld [tilespmem:s2+$0x3220];
	v21 =	vadd.f32 v12, v11;
	v16 =	vadd.f32 v14, v13  }
0x149: {  	v20 =	vld [tilespmem:s2+$0x3230];
	v15 =	vadd.f32 v17, v15;
	v14 =	vadd.f32 v23, v19  }
0x14a: {  	v17 =	vld [tilespmem:s2+$0x3240];
	v13 =	vadd.f32 v25, v24;
	v11 =	vadd.f32 v27, v26  }
0x14b: {  	v24 =	vadd.f32 v10, v32;
	v19 =	vld [tilespmem:s2+$0x3250];
	v10 =	vadd.f32 v29, v28  }
0x14c: {  	s4 =	simm.s32 $0x200;
	v23 =	vadd.f32 v18, v33;
	v18 =	vld [tilespmem:s2+$0x3260];
	v12 =	vadd.f32 v31, v30  }
.LBB2_8:
0x14d: {  	s5 =	sshra.s32 s4, $0x2;
	p0 =	sne.s32 s4, $0x4200;
	v21 =	vadd.f32 v21, v24;
	v4 =	vadd.f32 v4, v22;
	v22 =	vld [tilespmem:s2+$0x3270]  }
0x14e: {  	v24 =	vld [tilespmem:s5+$0x4300];
	v16 =	vadd.f32 v16, v23;
	v5 =	vadd.f32 v5, v20  }
0x14f: {  	v20 =	vld [tilespmem:s5+$0x5400];
	[tilespmem:s2+$0x3200] =	vst v21;
	v4 =	vadd.f32 v15, v4;
	v6 =	vadd.f32 v6, v17  }
0x150: {  	v15 =	vld [tilespmem:s5+$0x6500];
	[tilespmem:s2+$0x3210] =	vst v16;
	v5 =	vadd.f32 v14, v5;
	v7 =	vadd.f32 v7, v19  }
0x151: {  	v23 =	vld [tilespmem:s5+$0x4310];
	[tilespmem:s2+$0x3220] =	vst v4;
	v4 =	vadd.f32 v13, v6;
	v6 =	vadd.f32 v8, v18  }
0x152: {  	v13 =	vld [tilespmem:s5+$0x5410];
	[tilespmem:s2+$0x3230] =	vst v5;
	v5 =	vadd.f32 v11, v7;
	v7 =	vadd.f32 v9, v22  }
0x153: {  	v11 =	vld [tilespmem:s5+$0x6510];
	[tilespmem:s2+$0x3240] =	vst v4;
	v6 =	vadd.f32 v10, v6  }
0x154: {  	v4 =	vld [tilespmem:s5+$0x4320];
	[tilespmem:s2+$0x3250] =	vst v5;
	v5 =	vadd.f32 v12, v7  }
0x155: {  	v10 =	vld [tilespmem:s5+$0x5420];
	[tilespmem:s2+$0x3260] =	vst v6  }
0x156: {  	v12 =	vld [tilespmem:s5+$0x6520];
	[tilespmem:s2+$0x3270] =	vst v5;
	s2 =	smov.u32 s5  }
0x157: {  	v5 =	vld [tilespmem:s2+$0x4330]  }
0x158: {  	v14 =	vld [tilespmem:s2+$0x5430]  }
0x159: {  	v17 =	vld [tilespmem:s2+$0x6530]  }
0x15a: {  	v6 =	vld [tilespmem:s2+$0x4340]  }
0x15b: {  	v18 =	vld [tilespmem:s2+$0x5440]  }
0x15c: {  	v19 =	vld [tilespmem:s2+$0x6540]  }
0x15d: {  	v7 =	vld [tilespmem:s2+$0x4350]  }
0x15e: {  	v25 =	vld [tilespmem:s2+$0x5450]  }
0x15f: {  	v26 =	vld [tilespmem:s2+$0x6550]  }
0x160: {  	v8 =	vld [tilespmem:s2+$0x4360]  }
0x161: {  	v27 =	vld [tilespmem:s2+$0x5460]  }
0x162: {  	v28 =	vld [tilespmem:s2+$0x6560]  }
0x163: {  	v9 =	vld [tilespmem:s2+$0x4370]  }
0x164: {  	v29 =	vld [tilespmem:s2+$0x5470]  }
0x165: {  	v30 =	vld [tilespmem:s2+$0x6570]  }
0x166: {  	v31 =	vld [tilespmem:s2+$0x3200]  }
0x167: {  	v32 =	vld [tilespmem:s2+$0x3210]  }
.Ltmp3:
0x168: {  	v21 =	vadd.f32 v15, v20;
	v16 =	vadd.f32 v11, v13;
	v22 =	vld [tilespmem:s2+$0x3220];
	(pc) =	sbr.rel @p0 .LBB2_8-.Ltmp3, $4  }
0x169: {  	v15 =	vadd.f32 v12, v10;
	v14 =	vadd.f32 v17, v14;
	v20 =	vld [tilespmem:s2+$0x3230]  }
0x16a: {  	v13 =	vadd.f32 v19, v18;
	v11 =	vadd.f32 v26, v25;
	v17 =	vld [tilespmem:s2+$0x3240]  }
0x16b: {  	v10 =	vadd.f32 v28, v27;
	v24 =	vadd.f32 v24, v31;
	v19 =	vld [tilespmem:s2+$0x3250]  }
0x16c: {  	s4 =	sadd.s32 $0x200, s4;
	v12 =	vadd.f32 v30, v29;
	v23 =	vadd.f32 v23, v32;
	v18 =	vld [tilespmem:s2+$0x3260]  }
0x16d: {  	v21 =	vadd.f32 v21, v24;
	v4 =	vadd.f32 v4, v22;
	v22 =	vld [tilespmem:s2+$0x3270]  }
0x16e: {  	v16 =	vadd.f32 v16, v23;
	v5 =	vadd.f32 v5, v20  }
0x16f: {  	[tilespmem:s2+$0x3200] =	vst v21;
	v4 =	vadd.f32 v15, v4;
	v6 =	vadd.f32 v6, v17  }
0x170: {  	[tilespmem:s2+$0x3210] =	vst v16;
	v5 =	vadd.f32 v14, v5;
	v7 =	vadd.f32 v7, v19  }
0x171: {  	[tilespmem:s2+$0x3220] =	vst v4;
	v4 =	vadd.f32 v13, v6;
	v6 =	vadd.f32 v8, v18  }
0x172: {  	[tilespmem:s2+$0x3230] =	vst v5;
	v5 =	vadd.f32 v11, v7;
	v7 =	vadd.f32 v9, v22  }
0x173: {  	[tilespmem:s2+$0x3240] =	vst v4;
	v4 =	vadd.f32 v10, v6  }
0x174: {  	[tilespmem:s2+$0x3250] =	vst v5;
	v5 =	vadd.f32 v12, v7  }
0x175: {  	[tilespmem:s2+$0x3260] =	vst v4  }
0x176: {  	s10 =	rddreg [dreg:$0x6];
	[tilespmem:s2+$0x3270] =	vst v5  }
0x177: {  	[spmem:s10] =	stream.linear.scatter [tilespmem:s29], [sflag:$0x1], $0x110, $0x38;
	[tilespmem:$0x9980] =	vst v63  }
0x178: {  	s11 =	rddreg [dreg:$0x7];
	s4 =	simm.s32 $0x3310  }
0x179: {  	[spmem:s11] =	stream.linear.scatter [tilespmem:s4], [sflag:$0x1], $0x110, $0x38;
	[tilespmem:$0x9980] =	vst v63  }
0x17a: {  	s12 =	rddreg [dreg:$0x8];
	s13 =	simm.s32 $0x3420  }
0x17b: {  	[spmem:s12] =	stream.linear.scatter [tilespmem:s13], [sflag:$0x1], $0x110, $0x38;
	[tilespmem:$0x9980] =	vst v63  }
0x17c: {  	s5 =	simm.s32 $0x3530;
	s4 =	rddreg [dreg:$0x9]  }
0x17d: {  	[spmem:s4] =	stream.linear.scatter [tilespmem:s5], [sflag:$0x1], $0x110, $0x38;
	[tilespmem:$0x9980] =	vst v63  }
0x17e: {  	s6 =	rddreg [dreg:$0xa];
	s7 =	simm.s32 $0x3640  }
0x17f: {  	[spmem:s6] =	stream.linear.scatter [tilespmem:s7], [sflag:$0x1], $0x110, $0x38;
	[tilespmem:$0x9980] =	vst v63  }
0x180: {  	s8 =	rddreg [dreg:$0xb];
	s9 =	simm.s32 $0x3750  }
0x181: {  	[spmem:s8] =	stream.linear.scatter [tilespmem:s9], [sflag:$0x1], $0x110, $0x38;
	[tilespmem:$0x9980] =	vst v63  }
0x182: {  	s10 =	rddreg [dreg:$0xc];
	s11 =	simm.s32 $0x3860  }
0x183: {  	[spmem:s10] =	stream.linear.scatter [tilespmem:s11], [sflag:$0x1], $0x110, $0x38;
	[tilespmem:$0x9980] =	vst v63  }
0x184: {  	s12 =	rddreg [dreg:$0xd];
	s13 =	simm.s32 $0x3970  }
0x185: {  	[spmem:s12] =	stream.linear.scatter [tilespmem:s13], [sflag:$0x1], $0x110, $0x38;
	[tilespmem:$0x9980] =	vst v63  }
0x186: {  	s5 =	simm.s32 $0x3A80  }
0x187: {  	[spmem:s14] =	stream.linear.scatter [tilespmem:s5], [sflag:$0x1], $0x110, $0x38;
	[tilespmem:$0x9980] =	vst v63  }
0x188: {  	s6 =	simm.s32 $0x3B90  }
0x189: {  	[spmem:s15] =	stream.linear.scatter [tilespmem:s6], [sflag:$0x1], $0x110, $0x38;
	[tilespmem:$0x9980] =	vst v63  }
0x18a: {  	s7 =	simm.s32 $0x3CA0  }
0x18b: {  	[spmem:s16] =	stream.linear.scatter [tilespmem:s7], [sflag:$0x1], $0x110, $0x38;
	[tilespmem:$0x9980] =	vst v63  }
0x18c: {  	s8 =	simm.s32 $0x3DB0  }
0x18d: {  	[spmem:s17] =	stream.linear.scatter [tilespmem:s8], [sflag:$0x1], $0x110, $0x38;
	[tilespmem:$0x9980] =	vst v63  }
0x18e: {  	s9 =	simm.s32 $0x3EC0  }
0x18f: {  	[spmem:s18] =	stream.linear.scatter [tilespmem:s9], [sflag:$0x1], $0x110, $0x38;
	[tilespmem:$0x9980] =	vst v63  }
0x190: {  	s10 =	simm.s32 $0x3FD0  }
0x191: {  	[spmem:s19] =	stream.linear.scatter [tilespmem:s10], [sflag:$0x1], $0x110, $0x38;
	[tilespmem:$0x9980] =	vst v63  }
0x192: {  	s11 =	simm.s32 $0x40E0  }
0x193: {  	[spmem:s20] =	stream.linear.scatter [tilespmem:s11], [sflag:$0x1], $0x110, $0x38;
	[tilespmem:$0x9980] =	vst v63  }
0x194: {  	s12 =	simm.s32 $0x41F0  }
0x195: {  	[spmem:s21] =	stream.linear.scatter [tilespmem:s12], [sflag:$0x1], $0x110, $0x38;
	[tilespmem:$0x9980] =	vst v63  }
0x196: {  	_ =	swait.ge [sflag:s28], $0x110  }
0x197: {  	[sflag:s28] =	ssyncset.done $0x0  }
0x198: {  	[sflag:s28] =	ssyncadd.s32 $0xFFFFFEF0  }
0x199: {  	_ =	swait.ge [sflag:s28], $0x110  }
0x19a: {  	[sflag:s28] =	ssyncset.done $0x0  }
0x19b: {  	[sflag:s28] =	ssyncadd.s32 $0xFFFFFEF0  }
0x19c: {  	_ =	swait.ge [sflag:s28], $0x110  }
0x19d: {  	[sflag:s28] =	ssyncset.done $0x0  }
0x19e: {  	[sflag:s28] =	ssyncadd.s32 $0xFFFFFEF0  }
0x19f: {  	_ =	swait.ge [sflag:s28], $0x110  }
0x1a0: {  	[sflag:s28] =	ssyncset.done $0x0  }
0x1a1: {  	[sflag:s28] =	ssyncadd.s32 $0xFFFFFEF0  }
0x1a2: {  	_ =	swait.ge [sflag:s28], $0x110  }
0x1a3: {  	[sflag:s28] =	ssyncset.done $0x0  }
0x1a4: {  	[sflag:s28] =	ssyncadd.s32 $0xFFFFFEF0  }
0x1a5: {  	_ =	swait.ge [sflag:s28], $0x110  }
0x1a6: {  	[sflag:s28] =	ssyncset.done $0x0  }
0x1a7: {  	[sflag:s28] =	ssyncadd.s32 $0xFFFFFEF0  }
0x1a8: {  	_ =	swait.ge [sflag:s28], $0x110  }
0x1a9: {  	[sflag:s28] =	ssyncset.done $0x0  }
0x1aa: {  	[sflag:s28] =	ssyncadd.s32 $0xFFFFFEF0  }
0x1ab: {  	_ =	swait.ge [sflag:s28], $0x110  }
0x1ac: {  	[sflag:s28] =	ssyncset.done $0x0  }
0x1ad: {  	[sflag:s28] =	ssyncadd.s32 $0xFFFFFEF0  }
0x1ae: {  	_ =	swait.ge [sflag:s28], $0x110  }
0x1af: {  	[sflag:s28] =	ssyncset.done $0x0  }
0x1b0: {  	[sflag:s28] =	ssyncadd.s32 $0xFFFFFEF0  }
0x1b1: {  	_ =	swait.ge [sflag:s28], $0x110  }
0x1b2: {  	[sflag:s28] =	ssyncset.done $0x0  }
0x1b3: {  	[sflag:s28] =	ssyncadd.s32 $0xFFFFFEF0  }
0x1b4: {  	_ =	swait.ge [sflag:s28], $0x110  }
0x1b5: {  	[sflag:s28] =	ssyncset.done $0x0  }
0x1b6: {  	[sflag:s28] =	ssyncadd.s32 $0xFFFFFEF0  }
0x1b7: {  	_ =	swait.ge [sflag:s28], $0x110  }
0x1b8: {  	[sflag:s28] =	ssyncset.done $0x0  }
0x1b9: {  	[sflag:s28] =	ssyncadd.s32 $0xFFFFFEF0  }
0x1ba: {  	_ =	swait.ge [sflag:s28], $0x110  }
0x1bb: {  	[sflag:s28] =	ssyncset.done $0x0  }
0x1bc: {  	[sflag:s28] =	ssyncadd.s32 $0xFFFFFEF0  }
0x1bd: {  	_ =	swait.ge [sflag:s28], $0x110  }
0x1be: {  	[sflag:s28] =	ssyncset.done $0x0  }
0x1bf: {  	[sflag:s28] =	ssyncadd.s32 $0xFFFFFEF0  }
0x1c0: {  	_ =	swait.ge [sflag:s28], $0x110  }
0x1c1: {  	[sflag:s28] =	ssyncset.done $0x0  }
0x1c2: {  	[sflag:s28] =	ssyncadd.s32 $0xFFFFFEF0  }
0x1c3: {  	_ =	swait.ge [sflag:s28], $0x110  }
0x1c4: {  	[sflag:s28] =	ssyncset.done $0x0  }
0x1c5: {  	[sflag:s28] =	ssyncadd.s32 $0xFFFFFEF0  }
0x1c6: {  	s13 =	simm.s32 $0x8700;
	[bflag:$0x0] =	sbarrier.arrive $0xFFFF  }
0x1c7: {  	[tilespmem:s13], [sflag:$0x2] =	stream.linear.gather [spmem:s22], $0x1100, $0x38;
	[tilespmem:$0x9980] =	vst v63  }
0x1c8: {  	_ =	swait.ge [sflag:s1], $0x1100  }
0x1c9: {  	[sflag:s1] =	ssyncset.done $0x0  }
0x1ca: {  	v13 =	vimm.f32 $0.0e+00;
	[sflag:s1] =	ssyncadd.s32 $0xFFFFEF00  }
0x1cb: {  	[tilespmem:$0x9800] =	vst v13  }
0x1cc: {  	[tilespmem:$0x9810] =	vst v13  }
0x1cd: {  	[tilespmem:$0x9820] =	vst v13  }
0x1ce: {  	[tilespmem:$0x9830] =	vst v13  }
0x1cf: {  	[tilespmem:$0x9840] =	vst v13  }
0x1d0: {  	[tilespmem:$0x9850] =	vst v13  }
0x1d1: {  	[tilespmem:$0x9860] =	vst v13  }
0x1d2: {  	[tilespmem:$0x9870] =	vst v13  }
0x1d3: {  	[tilespmem:$0x9880] =	vst v13  }
0x1d4: {  	[tilespmem:$0x9890] =	vst v13  }
0x1d5: {  	[tilespmem:$0x98A0] =	vst v13  }
0x1d6: {  	[tilespmem:$0x98B0] =	vst v13  }
0x1d7: {  	v20 =	vimm.f32 $0.0e+00;
	[tilespmem:$0x98C0] =	vst v13  }
0x1d8: {  	v17 =	vimm.f32 $0.0e+00;
	v15 =	vimm.f32 $0.0e+00;
	v19 =	vimm.f32 $0.0e+00;
	[tilespmem:$0x98D0] =	vst v13  }
0x1d9: {  	v16 =	vimm.f32 $0.0e+00;
	v14 =	vimm.f32 $0.0e+00;
	v18 =	vimm.f32 $0.0e+00;
	[tilespmem:$0x98E0] =	vst v13  }
0x1da: {  	v8 =	vimm.f32 $0.0e+00;
	v11 =	vimm.f32 $0.0e+00;
	v9 =	vimm.f32 $0.0e+00;
	[tilespmem:$0x98F0] =	vst v13  }
0x1db: {  	v10 =	vimm.f32 $0.0e+00;
	v6 =	vimm.f32 $0.0e+00;
	v12 =	vimm.f32 $0.0e+00;
	s2 =	simm.s32 $0x8790;
	[tilespmem:$0x9900] =	vst v13  }
0x1dc: {  	v7 =	vimm.f32 $0.0e+00;
	v4 =	vimm.f32 $0.0e+00;
	v5 =	vimm.f32 $0.0e+00;
	s4 =	simm.s32 $0x0;
	s5 =	simm.s32 $0x110;
	v21 =	vld [tilespmem:s2+$0xFFFFFF70]  }
.LBB2_10:
0x1dd: {  	p0 =	sne.s32 s5, $0xFF0;
	_ =	sdelay $0x3  }
0x1de: {  	v13 =	vadd.f32 v21, v13;
	_ =	sdelay $0x1  }
0x1df: {  	[tilespmem:$0x9800] =	vst v13  }
0x1e0: {  	v21 =	vld [tilespmem:s2+$0xFFFFFF80];
	_ =	sdelay $0x4  }
0x1e1: {  	v20 =	vadd.f32 v21, v20;
	_ =	sdelay $0x1  }
0x1e2: {  	[tilespmem:$0x9810] =	vst v20  }
0x1e3: {  	v21 =	vld [tilespmem:s2+$0xFFFFFF90];
	_ =	sdelay $0x4  }
0x1e4: {  	v19 =	vadd.f32 v21, v19;
	_ =	sdelay $0x1  }
0x1e5: {  	[tilespmem:$0x9820] =	vst v19  }
0x1e6: {  	v21 =	vld [tilespmem:s2+$0xFFFFFFA0];
	_ =	sdelay $0x4  }
0x1e7: {  	v18 =	vadd.f32 v21, v18;
	_ =	sdelay $0x1  }
0x1e8: {  	[tilespmem:$0x9830] =	vst v18  }
0x1e9: {  	v21 =	vld [tilespmem:s2+$0xFFFFFFB0];
	_ =	sdelay $0x4  }
0x1ea: {  	v17 =	vadd.f32 v21, v17;
	_ =	sdelay $0x1  }
0x1eb: {  	[tilespmem:$0x9840] =	vst v17  }
0x1ec: {  	v21 =	vld [tilespmem:s2+$0xFFFFFFC0];
	_ =	sdelay $0x4  }
0x1ed: {  	v16 =	vadd.f32 v21, v16;
	_ =	sdelay $0x1  }
0x1ee: {  	[tilespmem:$0x9850] =	vst v16  }
0x1ef: {  	v21 =	vld [tilespmem:s2+$0xFFFFFFD0];
	_ =	sdelay $0x4  }
0x1f0: {  	v15 =	vadd.f32 v21, v15;
	_ =	sdelay $0x1  }
0x1f1: {  	[tilespmem:$0x9860] =	vst v15  }
0x1f2: {  	v21 =	vld [tilespmem:s2+$0xFFFFFFE0];
	_ =	sdelay $0x4  }
0x1f3: {  	v14 =	vadd.f32 v21, v14;
	_ =	sdelay $0x1  }
0x1f4: {  	s6 =	sand.u32 $0xFF0, s4;
	s4 =	smov.u32 s5;
	[tilespmem:$0x9870] =	vst v14  }
0x1f5: {  	v21 =	vld [tilespmem:s6+$0x8780];
	_ =	sdelay $0x4  }
0x1f6: {  	v12 =	vadd.f32 v21, v12;
	_ =	sdelay $0x1  }
0x1f7: {  	[tilespmem:$0x9880] =	vst v12  }
0x1f8: {  	v21 =	vld [tilespmem:s2+$0x0];
	_ =	sdelay $0x4  }
0x1f9: {  	v11 =	vadd.f32 v21, v11;
	_ =	sdelay $0x1  }
0x1fa: {  	[tilespmem:$0x9890] =	vst v11  }
0x1fb: {  	v21 =	vld [tilespmem:s2+$0x10];
	_ =	sdelay $0x4  }
0x1fc: {  	v9 =	vadd.f32 v21, v9;
	_ =	sdelay $0x1  }
0x1fd: {  	[tilespmem:$0x98A0] =	vst v9  }
0x1fe: {  	v21 =	vld [tilespmem:s2+$0x20];
	_ =	sdelay $0x4  }
0x1ff: {  	v10 =	vadd.f32 v21, v10;
	_ =	sdelay $0x1  }
0x200: {  	[tilespmem:$0x98B0] =	vst v10  }
0x201: {  	v21 =	vld [tilespmem:s2+$0x30];
	_ =	sdelay $0x4  }
0x202: {  	v8 =	vadd.f32 v21, v8;
	_ =	sdelay $0x1  }
0x203: {  	[tilespmem:$0x98C0] =	vst v8  }
0x204: {  	v21 =	vld [tilespmem:s2+$0x40];
	_ =	sdelay $0x4  }
0x205: {  	v6 =	vadd.f32 v21, v6;
	_ =	sdelay $0x1  }
0x206: {  	[tilespmem:$0x98D0] =	vst v6  }
0x207: {  	v21 =	vld [tilespmem:s2+$0x50];
	_ =	sdelay $0x4  }
0x208: {  	v7 =	vadd.f32 v21, v7;
	_ =	sdelay $0x1  }
0x209: {  	[tilespmem:$0x98E0] =	vst v7  }
0x20a: {  	v21 =	vld [tilespmem:s2+$0x60];
	_ =	sdelay $0x4  }
0x20b: {  	v5 =	vadd.f32 v21, v5;
	_ =	sdelay $0x1  }
0x20c: {  	[tilespmem:$0x98F0] =	vst v5  }
0x20d: {  	v21 =	vld [tilespmem:s6+$0x8800];
	_ =	sdelay $0x3  }
.Ltmp4:
0x20e: {  	(pc) =	sbr.rel @p0 .LBB2_10-.Ltmp4, $3  }
0x20f: {  	v4 =	vadd.f32 v21, v4;
	_ =	sdelay $0x1  }
0x210: {  	s2 =	sadd.s32 $0x110, s2;
	[tilespmem:$0x9900] =	vst v4  }
0x211: {  	s5 =	sadd.s32 $0x110, s5;
	v21 =	vld [tilespmem:s2+$0xFFFFFF70]  }
0x212: {  	_ =	sdelay $0x3  }
0x213: {  	v13 =	vadd.f32 v21, v13;
	_ =	sdelay $0x1  }
0x214: {  	[tilespmem:$0x9800] =	vst v13  }
0x215: {  	v13 =	vld [tilespmem:s2+$0xFFFFFF80];
	_ =	sdelay $0x4  }
0x216: {  	v13 =	vadd.f32 v13, v20;
	_ =	sdelay $0x1  }
0x217: {  	[tilespmem:$0x9810] =	vst v13  }
0x218: {  	v13 =	vld [tilespmem:s2+$0xFFFFFF90];
	_ =	sdelay $0x4  }
0x219: {  	v13 =	vadd.f32 v13, v19;
	_ =	sdelay $0x1  }
0x21a: {  	[tilespmem:$0x9820] =	vst v13  }
0x21b: {  	v13 =	vld [tilespmem:s2+$0xFFFFFFA0];
	_ =	sdelay $0x4  }
0x21c: {  	v13 =	vadd.f32 v13, v18;
	_ =	sdelay $0x1  }
0x21d: {  	[tilespmem:$0x9830] =	vst v13  }
0x21e: {  	v13 =	vld [tilespmem:s2+$0xFFFFFFB0];
	_ =	sdelay $0x4  }
0x21f: {  	v13 =	vadd.f32 v13, v17;
	_ =	sdelay $0x1  }
0x220: {  	[tilespmem:$0x9840] =	vst v13  }
0x221: {  	v13 =	vld [tilespmem:s2+$0xFFFFFFC0];
	_ =	sdelay $0x4  }
0x222: {  	v13 =	vadd.f32 v13, v16;
	_ =	sdelay $0x1  }
0x223: {  	[tilespmem:$0x9850] =	vst v13  }
0x224: {  	v13 =	vld [tilespmem:s2+$0xFFFFFFD0];
	_ =	sdelay $0x4  }
0x225: {  	v13 =	vadd.f32 v13, v15;
	_ =	sdelay $0x1  }
0x226: {  	[tilespmem:$0x9860] =	vst v13  }
0x227: {  	v13 =	vld [tilespmem:s2+$0xFFFFFFE0];
	_ =	sdelay $0x4  }
0x228: {  	v13 =	vadd.f32 v13, v14;
	_ =	sdelay $0x1  }
0x229: {  	s4 =	sand.u32 $0xFF0, s4;
	[tilespmem:$0x9870] =	vst v13  }
0x22a: {  	v13 =	vld [tilespmem:s4+$0x8780];
	_ =	sdelay $0x4  }
0x22b: {  	v12 =	vadd.f32 v13, v12;
	_ =	sdelay $0x1  }
0x22c: {  	[tilespmem:$0x9880] =	vst v12  }
0x22d: {  	v12 =	vld [tilespmem:s2+$0x0];
	_ =	sdelay $0x4  }
0x22e: {  	v11 =	vadd.f32 v12, v11;
	_ =	sdelay $0x1  }
0x22f: {  	[tilespmem:$0x9890] =	vst v11  }
0x230: {  	v11 =	vld [tilespmem:s2+$0x10];
	_ =	sdelay $0x4  }
0x231: {  	v9 =	vadd.f32 v11, v9;
	_ =	sdelay $0x1  }
0x232: {  	[tilespmem:$0x98A0] =	vst v9  }
0x233: {  	v9 =	vld [tilespmem:s2+$0x20];
	_ =	sdelay $0x4  }
0x234: {  	v9 =	vadd.f32 v9, v10;
	_ =	sdelay $0x1  }
0x235: {  	[tilespmem:$0x98B0] =	vst v9  }
0x236: {  	v9 =	vld [tilespmem:s2+$0x30];
	_ =	sdelay $0x4  }
0x237: {  	v8 =	vadd.f32 v9, v8;
	_ =	sdelay $0x1  }
0x238: {  	[tilespmem:$0x98C0] =	vst v8  }
0x239: {  	v8 =	vld [tilespmem:s2+$0x40];
	_ =	sdelay $0x4  }
0x23a: {  	v6 =	vadd.f32 v8, v6;
	_ =	sdelay $0x1  }
0x23b: {  	[tilespmem:$0x98D0] =	vst v6  }
0x23c: {  	v6 =	vld [tilespmem:s2+$0x50];
	_ =	sdelay $0x4  }
0x23d: {  	v6 =	vadd.f32 v6, v7;
	_ =	sdelay $0x1  }
0x23e: {  	[tilespmem:$0x98E0] =	vst v6  }
0x23f: {  	v6 =	vld [tilespmem:s2+$0x60];
	_ =	sdelay $0x4  }
0x240: {  	v5 =	vadd.f32 v6, v5;
	_ =	sdelay $0x1  }
0x241: {  	[tilespmem:$0x98F0] =	vst v5  }
0x242: {  	v5 =	vld [tilespmem:s4+$0x8800];
	_ =	sdelay $0x4  }
0x243: {  	s25 =	sadd.s32 $0x1, s25;
	v4 =	vadd.f32 v5, v4  }
0x244: {  	p0 =	sne.s32 s25, s24  }
.Ltmp5:
0x245: {  	s13 =	simm.s32 $0x9800;
	[tilespmem:$0x9900] =	vst v4;
	(pc) =	sbr.rel @p0 .LBB2_1-.Ltmp5, $4  }
0x246: {  	[hbm4b:s23+s3] =	stream.linear.scatter [tilespmem:s13], [sflag:$0x2], $0x110, $0x38;
	[tilespmem:$0x9980] =	vst v63  }
0x247: {  	_ =	swait.ge [sflag:s1], $0x110  }
0x248: {  	[sflag:s1] =	ssyncset.done $0x0  }
0x249: {  	[sflag:s1] =	ssyncadd.s32 $0xFFFFFEF0  }
0x24a: {  	_ =	sfence.sel $0x180000  }
0x24b: {  	[bflag:$0x0] =	sbarrier.arrive $0xFFFF  }
0x24c: {  	_ =	strace $0x90000047  }
0x24d: {  	s0 =	stileid.u32;
	[bflag:$0x2] =	sbarrier.arrive $0xFFFF  }
0x24e: {  	p0 =	sne.s32 s0, $0x0;
	s0 =	rddreg [dreg:$0x3]  }
0x24f: {  	s0 =	sadd.s32 @!p0 $0x100000, s0  }
0x250: {  	[sflag:s0] =	ssyncadd.tile.s32 @!p0 $0x1;
	_ =	shalt  }
.Lfunc_end2:
_tile_overlayer_lowered:
.L_overlay_start_2:
0x251: {  	(tag) =	ssettag $0x2  }
0x252: {  	s0 =	rddreg [dreg:$0x0];
	s2 =	stileid.u32  }
0x253: {  	s1 =	rddreg [dreg:$0x1];
	p0 =	sne.s32 s2, $0x0  }
0x254: {  	s3 =	rddreg [dreg:$0x2];
	[bflag:$0x3] =	sbarrier.arrive $0xFFFF;
	s2 =	simm.s32 @!p0 $0x1C02  }
0x255: {  	[timem:s3], [sflag:s2] =	dma.local @!p0 [hbm:s0], s1  }
0x256: {  	s0 =	simm.s32 @!p0 $0x2  }
0x257: {  	_ =	swait.ge @!p0 [sflag:s0], s1  }
0x258: {  	s1 =	ssub.s32 @!p0 $0x0, s1;
	[sflag:s0] =	ssyncset.done @!p0 $0x0  }
0x259: {  	[sflag:s0] =	ssyncadd.s32 @!p0 s1  }
0x25a: {  	[bflag:$0x3] =	sbarrier.arrive $0xFFFF  }
0x25b: {  	_ =	shalt  }

</sc_bundles>
